<compile_context>
chip_gen: v7x
topology: tpu7x:2x2x1
jax: 0.10.2.dev20260603
libtpu: 0.0.44.dev20260713+nightly
codegen_flags: <defaults>
</compile_context>

<pallas_src>
import functools

import jax
import jax.numpy as jnp
from jax import lax
from jax.experimental import pallas as pl
from jax.experimental.pallas import tpu as pltpu
from jax.experimental.pallas import tpu_sc as plsc

M = 8
L = 8192
NW = 32
CPW = 1024 // NW
NSEG = 32
VPS = 16
BIGF = -3.0
BIGI = 2 * L


_GDN = lax.GatherDimensionNumbers(
    offset_dims=(), collapsed_slice_dims=(0,), start_index_map=(0,)
)


def _lane_all(v, op, lane):
    for sh in (8, 4, 2, 1):
        perm = lane ^ sh
        sh_v = lax.gather(
            v, perm[:, None], _GDN, (1,),
            mode=lax.GatherScatterMode.PROMISE_IN_BOUNDS,
        )
        v = op(v, sh_v)
    return v


def _sc_select(a_hbm, out_hbm, slab_a, slab_b, acc_v, res_v, sem_a, sem_b):
    wid = lax.axis_index("s") * 2 + lax.axis_index("c")
    lane = lax.iota(jnp.int32, 16)

    def per_column(cl, slab_v):

        def seg_init(s, _):
            def seg_scan(t, acc):
                return jnp.maximum(acc, slab_v[pl.ds((s * VPS + t) * 16, 16)])

            acc = lax.fori_loop(0, VPS, seg_scan, jnp.full((16,), -1.0, jnp.float32))
            acc_v[pl.ds(s * 16, 16)] = acc
            return _

        lax.fori_loop(0, NSEG, seg_init, 0)

        def per_round(m, p_acc):
            def gmax_scan(s, g):
                return jnp.maximum(g, acc_v[pl.ds(s * 16, 16)])

            g = lax.fori_loop(0, NSEG, gmax_scan, jnp.full((16,), -2.0, jnp.float32))
            gv = _lane_all(g, jnp.maximum, lane)

            def seg_find(s, best):
                accs = acc_v[pl.ds(s * 16, 16)]
                cand = jnp.where(accs == gv, s, BIGI)
                return jnp.minimum(best, cand)

            s_vec = lax.fori_loop(
                0, NSEG, seg_find, jnp.full((16,), BIGI, jnp.int32)
            )
            s_star = _lane_all(s_vec, jnp.minimum, lane)[0]

            def row_find(t, best):
                vreg = slab_v[pl.ds((s_star * VPS + t) * 16, 16)]
                eidx = (s_star * VPS + t) * 16 + lane
                cand = jnp.where(vreg == gv, eidx, BIGI)
                return jnp.minimum(best, cand)

            k_vec = lax.fori_loop(
                0, VPS, row_find, jnp.full((16,), BIGI, jnp.int32)
            )
            k = _lane_all(k_vec, jnp.minimum, lane)[0]

            p_acc = jnp.where(lane == m, (L + k) // (k + 1), p_acc)

            plsc.store_scatter(
                slab_v,
                [jnp.full((16,), 0, jnp.int32) + k],
                jnp.full((16,), BIGF, jnp.float32),
                mask=lane == 0,
            )

            def seg_rescan(t, acc):
                return jnp.maximum(acc, slab_v[pl.ds((s_star * VPS + t) * 16, 16)])

            newacc = lax.fori_loop(0, VPS, seg_rescan, jnp.full((16,), -1.0, jnp.float32))
            acc_v[pl.ds(s_star * 16, 16)] = newacc
            return p_acc

        p_acc = lax.fori_loop(0, M, per_round, jnp.zeros((16,), jnp.int32))
        res_v[pl.ds(cl * 16, 16)] = p_acc

    def pair_body(cp, _):
        col = wid * CPW + 2 * cp
        h_a = pltpu.make_async_copy(a_hbm.at[col], slab_a, sem_a)
        h_b = pltpu.make_async_copy(a_hbm.at[col + 1], slab_b, sem_b)
        h_a.start()
        h_b.start()
        h_a.wait()
        per_column(2 * cp, slab_a)
        h_b.wait()
        per_column(2 * cp + 1, slab_b)
        return _

    lax.fori_loop(0, CPW // 2, pair_body, 0)
    pltpu.sync_copy(res_v, out_hbm.at[pl.ds(wid * (CPW * 16), CPW * 16)])


def kernel(x_input):
    b, length, d = x_input.shape
    x_DFT = jnp.fft.fft(x_input, axis=1)
    a = jnp.abs(x_DFT)
    a_t = jnp.transpose(a, (0, 2, 1)).reshape(b * d, length)
    mesh = plsc.VectorSubcoreMesh(core_axis_name="c", subcore_axis_name="s")
    sc = functools.partial(
        pl.kernel,
        mesh=mesh,
        compiler_params=pltpu.CompilerParams(needs_layout_passes=False),
        out_type=jax.ShapeDtypeStruct((b * d * 16,), jnp.int32),
        scratch_types=[
            pltpu.VMEM((length,), jnp.float32),
            pltpu.VMEM((length,), jnp.float32),
            pltpu.VMEM((NSEG * 16,), jnp.float32),
            pltpu.VMEM((CPW * 16,), jnp.int32),
            pltpu.SemaphoreType.DMA,
            pltpu.SemaphoreType.DMA,
        ],
    )(_sc_select)
    flat = sc(a_t)
    p = jnp.transpose(flat.reshape(b, d, 16)[:, :, :M], (0, 2, 1))
    return p.astype(jnp.int64)

# --- scband reference (transcript-rebuilt; emitter-appended) ---
"""Pipeline reference for scband-local-multi-periodicity-extractor-13554916786543 (READ-ONLY COPY).

The authoritative reference and input builder live on the scoring server;
editing this copy changes nothing except your own understanding.
"""

import jax, jax.numpy as jnp
import numpy as np

M = 8

def setup_inputs(seed: int = 0) -> dict:
    key = jax.random.key(seed)
    x_input = jax.random.normal(key, (128, 8192, 8), dtype=jnp.float32)
    return {"x_input": x_input}

def reference(x_input):
    # x_input: (b, length, dim)
    L = x_input.shape[1]
    x_DFT = jnp.fft.fft(x_input, axis=1)          # complex64 (b, L, d)
    a = jnp.abs(x_DFT)                            # (b, L, d)
    # torch.topk(a, dim=1, k=m): top-k along axis 1
    a_m = jnp.moveaxis(a, 1, 2)                   # (b, d, L)
    vals, idx = jax.lax.top_k(a_m, M)             # (b, d, m)
    a_top = jnp.moveaxis(vals, 2, 1)              # (b, m, d)
    f = jnp.moveaxis(idx, 2, 1) + 1               # (b, m, d), int
    p = jnp.ceil(L / f).astype(jnp.int64)         # (b, m, d)
    return p

if __name__ == "__main__":
    import jax
    _d = setup_inputs()
    print(jax.jit(kernel)(*tuple(_d.values())))

</pallas_src>

<mosaic_0001>
#map = affine_map<(d0, d1) -> (0, 0)>
#map1 = affine_map<(d0, d1) -> (0)>
module attributes {stable_mosaic.version = 14 : i64} {
  func.func @_sc_select(%arg0: i32, %arg1: i32, %arg2: memref<1024x8192xf32, #tpu.memory_space<hbm>>, %arg3: memref<16384xi32, #tpu.memory_space<hbm>>, %arg4: memref<8192xf32, #tpu.memory_space<vmem>>, %arg5: memref<8192xf32, #tpu.memory_space<vmem>>, %arg6: memref<512xf32, #tpu.memory_space<vmem>>, %arg7: memref<512xi32, #tpu.memory_space<vmem>>, %arg8: memref<!tpu.dma_semaphore, #tpu.memory_space<semaphore_mem>>, %arg9: memref<!tpu.dma_semaphore, #tpu.memory_space<semaphore_mem>>) attributes {dimension_semantics = [#tpu.dimension_semantics<core_parallel>, #tpu.dimension_semantics<subcore_parallel>], iteration_bounds = array<i64: 2, 16>, scalar_prefetch = 0 : i64, scratch_operands = 6 : i64, tpu.core_type = #tpu.core_type<sc_vector_subcore>, window_params = [{transform_indices = #map}, {transform_indices = #map1}]} {
    %mul3A = arith.constant 2 : i32
    %mul3A_0 = arith.muli %arg1, %mul3A : i32
    %add3A = arith.addi %mul3A_0, %arg0 : i32
    %iota3A = tpu.iota {dimensions = array<i32: 0>} : vector<16xi32>
    %scan3A = arith.constant 0 : i32
    %scan3A_1 = arith.constant 0 : i32
    %scan3A_2 = arith.constant 16 : i32
    %scan3A_3 = arith.addi %scan3A_1, %scan3A_2 : i32
    %scan3A_4 = arith.constant 1 : i32
    scf.for %scan3A_8 = %scan3A_1 to %scan3A_3 step %scan3A_4  : i32 {
      %mul3A_9 = arith.constant 32 : i32
      %mul3A_10 = arith.muli %add3A, %mul3A_9 : i32
      %mul3A_11 = arith.constant 2 : i32
      %mul3A_12 = arith.muli %mul3A_11, %scan3A_8 : i32
      %add3A_13 = arith.addi %mul3A_10, %mul3A_12 : i32
      %add3A_14 = arith.constant 1 : i32
      %add3A_15 = arith.addi %add3A_13, %add3A_14 : i32
      %dma_start3A = arith.constant 0 : i32
      %dma_start3A_16 = tpu.memref_slice %arg2[%add3A_13, %dma_start3A] : memref<1024x8192xf32, #tpu.memory_space<hbm>> -> memref<1x8192xf32, #tpu.memory_space<hbm>>
      %dma_start3A_17 = tpu.memref_squeeze %dma_start3A_16 : memref<1x8192xf32, #tpu.memory_space<hbm>> -> memref<8192xf32, #tpu.memory_space<hbm>>
      %dma_start3A_18 = arith.constant 0 : i32
      %dma_start3A_19 = tpu.memref_slice %arg2[%add3A_13, %dma_start3A_18] : memref<1024x8192xf32, #tpu.memory_space<hbm>> -> memref<1x8192xf32, #tpu.memory_space<hbm>>
      %dma_start3A_20 = tpu.memref_squeeze %dma_start3A_19 : memref<1x8192xf32, #tpu.memory_space<hbm>> -> memref<8192xf32, #tpu.memory_space<hbm>>
      tpu.enqueue_dma source(%dma_start3A_20 : memref<8192xf32, #tpu.memory_space<hbm>>) target(%arg4 : memref<8192xf32, #tpu.memory_space<vmem>>) target_semaphore(%arg8 : memref<!tpu.dma_semaphore, #tpu.memory_space<semaphore_mem>>)
      %dma_start3A_21 = arith.constant 0 : i32
      %dma_start3A_22 = tpu.memref_slice %arg2[%add3A_15, %dma_start3A_21] : memref<1024x8192xf32, #tpu.memory_space<hbm>> -> memref<1x8192xf32, #tpu.memory_space<hbm>>
      %dma_start3A_23 = tpu.memref_squeeze %dma_start3A_22 : memref<1x8192xf32, #tpu.memory_space<hbm>> -> memref<8192xf32, #tpu.memory_space<hbm>>
      %dma_start3A_24 = arith.constant 0 : i32
      %dma_start3A_25 = tpu.memref_slice %arg2[%add3A_15, %dma_start3A_24] : memref<1024x8192xf32, #tpu.memory_space<hbm>> -> memref<1x8192xf32, #tpu.memory_space<hbm>>
      %dma_start3A_26 = tpu.memref_squeeze %dma_start3A_25 : memref<1x8192xf32, #tpu.memory_space<hbm>> -> memref<8192xf32, #tpu.memory_space<hbm>>
      tpu.enqueue_dma source(%dma_start3A_26 : memref<8192xf32, #tpu.memory_space<hbm>>) target(%arg5 : memref<8192xf32, #tpu.memory_space<vmem>>) target_semaphore(%arg9 : memref<!tpu.dma_semaphore, #tpu.memory_space<semaphore_mem>>)
      %dma_wait3A = arith.constant 0 : i32
      %dma_wait3A_27 = tpu.memref_slice %arg2[%add3A_13, %dma_wait3A] : memref<1024x8192xf32, #tpu.memory_space<hbm>> -> memref<1x8192xf32, #tpu.memory_space<hbm>>
      %dma_wait3A_28 = tpu.memref_squeeze %dma_wait3A_27 : memref<1x8192xf32, #tpu.memory_space<hbm>> -> memref<8192xf32, #tpu.memory_space<hbm>>
      %dma_wait3A_29 = arith.constant 0 : i32
      %dma_wait3A_30 = tpu.memref_slice %arg2[%add3A_13, %dma_wait3A_29] : memref<1024x8192xf32, #tpu.memory_space<hbm>> -> memref<1x8192xf32, #tpu.memory_space<hbm>>
      %dma_wait3A_31 = tpu.memref_squeeze %dma_wait3A_30 : memref<1x8192xf32, #tpu.memory_space<hbm>> -> memref<8192xf32, #tpu.memory_space<hbm>>
      tpu.wait_dma2 semaphore(%arg8 : memref<!tpu.dma_semaphore, #tpu.memory_space<semaphore_mem>>) src(%dma_wait3A_31 : memref<8192xf32, #tpu.memory_space<hbm>>) dst(%arg4 : memref<8192xf32, #tpu.memory_space<vmem>>)
      %mul3A_32 = arith.constant 2 : i32
      %mul3A_33 = arith.muli %mul3A_32, %scan3A_8 : i32
      %scan3A_34 = arith.constant 0 : i32
      %scan3A_35 = arith.constant 0 : i32
      %scan3A_36 = arith.constant 32 : i32
      %scan3A_37 = arith.addi %scan3A_35, %scan3A_36 : i32
      %scan3A_38 = arith.constant 1 : i32
      scf.for %scan3A_78 = %scan3A_35 to %scan3A_37 step %scan3A_38  : i32 {
        %broadcast_in_dim3A_79 = arith.constant -1.000000e+00 : f32
        %broadcast_in_dim3A_80 = vector.broadcast %broadcast_in_dim3A_79 : f32 to vector<16xf32>
        %scan3A_81 = arith.constant 0 : i32
        %scan3A_82 = arith.constant 16 : i32
        %scan3A_83 = arith.addi %scan3A_81, %scan3A_82 : i32
        %scan3A_84 = arith.constant 1 : i32
        %scan3A_85 = scf.for %scan3A_91 = %scan3A_81 to %scan3A_83 step %scan3A_84 iter_args(%scan3A_92 = %broadcast_in_dim3A_80) -> (vector<16xf32>)  : i32 {
          %mul3A_93 = arith.constant 16 : i32
          %mul3A_94 = arith.muli %scan3A_78, %mul3A_93 : i32
          %add3A_95 = arith.addi %mul3A_94, %scan3A_91 : i32
          %mul3A_96 = arith.constant 16 : i32
          %mul3A_97 = arith.muli %add3A_95, %mul3A_96 : i32
          %get3A = arith.index_cast %mul3A_97 : i32 to index
          %get3A_98 = tpu.vector_load %arg4[%get3A] {strides = array<i32>} : memref<8192xf32, #tpu.memory_space<vmem>>, vector<16xf32>,
          %max3A = arith.maximumf %scan3A_92, %get3A_98 : vector<16xf32>
          scf.yield %max3A : vector<16xf32>
        }
        %scan3A_86 = arith.constant 16 : i32
        %mul3A_87 = arith.constant 16 : i32
        %mul3A_88 = arith.muli %scan3A_78, %mul3A_87 : i32
        %swap3A_89 = arith.index_cast %mul3A_88 : i32 to index
        %swap3A_90 = tpu.vector_load %arg6[%swap3A_89] {strides = array<i32>} : memref<512xf32, #tpu.memory_space<vmem>>, vector<16xf32>,
        tpu.vector_store %arg6[%swap3A_89], %scan3A_85 {strides = array<i32>} : memref<512xf32, #tpu.memory_space<vmem>>, vector<16xf32>,
      }
      %scan3A_39 = arith.constant 32 : i32
      %broadcast_in_dim3A = arith.constant 0 : i32
      %broadcast_in_dim3A_40 = vector.broadcast %broadcast_in_dim3A : i32 to vector<16xi32>
      %scan3A_41 = arith.constant 0 : i32
      %scan3A_42 = arith.constant 8 : i32
      %scan3A_43 = arith.addi %scan3A_41, %scan3A_42 : i32
      %scan3A_44 = arith.constant 1 : i32
      %scan3A_45 = scf.for %scan3A_78 = %scan3A_41 to %scan3A_43 step %scan3A_44 iter_args(%scan3A_79 = %broadcast_in_dim3A_40) -> (vector<16xi32>)  : i32 {
        %broadcast_in_dim3A_80 = arith.constant -2.000000e+00 : f32
        %broadcast_in_dim3A_81 = vector.broadcast %broadcast_in_dim3A_80 : f32 to vector<16xf32>
        %scan3A_82 = arith.constant 0 : i32
        %scan3A_83 = arith.constant 32 : i32
        %scan3A_84 = arith.addi %scan3A_82, %scan3A_83 : i32
        %scan3A_85 = arith.constant 1 : i32
        %scan3A_86 = scf.for %scan3A_230 = %scan3A_82 to %scan3A_84 step %scan3A_85 iter_args(%scan3A_231 = %broadcast_in_dim3A_81) -> (vector<16xf32>)  : i32 {
          %mul3A_232 = arith.constant 16 : i32
          %mul3A_233 = arith.muli %scan3A_230, %mul3A_232 : i32
          %get3A = arith.index_cast %mul3A_233 : i32 to index
          %get3A_234 = tpu.vector_load %arg6[%get3A] {strides = array<i32>} : memref<512xf32, #tpu.memory_space<vmem>>, vector<16xf32>,
          %max3A_235 = arith.maximumf %scan3A_231, %get3A_234 : vector<16xf32>
          scf.yield %max3A_235 : vector<16xf32>
        }
        %scan3A_87 = arith.constant 32 : i32
        %xor3A = arith.constant 8 : i32
        %xor3A_88 = vector.broadcast %xor3A : i32 to vector<16xi32>
        %xor3A_89 = arith.xori %iota3A, %xor3A_88 : vector<16xi32>
        %broadcast_in_dim3A_90 = vector.shape_cast %xor3A_89 : vector<16xi32> to vector<16x1xi32>
        %gather3A = vector.shape_cast %broadcast_in_dim3A_90 : vector<16x1xi32> to vector<16xi32>
        %gather3A_91 = tpu.dynamic_gather %scan3A_86[%gather3A] in [0] : vector<16xf32>, vector<16xi32> -> vector<16xf32>
        %max3A = arith.maximumf %scan3A_86, %gather3A_91 : vector<16xf32>
        %xor3A_92 = arith.constant 4 : i32
        %xor3A_93 = vector.broadcast %xor3A_92 : i32 to vector<16xi32>
        %xor3A_94 = arith.xori %iota3A, %xor3A_93 : vector<16xi32>
        %broadcast_in_dim3A_95 = vector.shape_cast %xor3A_94 : vector<16xi32> to vector<16x1xi32>
        %gather3A_96 = vector.shape_cast %broadcast_in_dim3A_95 : vector<16x1xi32> to vector<16xi32>
        %gather3A_97 = tpu.dynamic_gather %max3A[%gather3A_96] in [0] : vector<16xf32>, vector<16xi32> -> vector<16xf32>
        %max3A_98 = arith.maximumf %max3A, %gather3A_97 : vector<16xf32>
        %xor3A_99 = arith.constant 2 : i32
        %xor3A_100 = vector.broadcast %xor3A_99 : i32 to vector<16xi32>
        %xor3A_101 = arith.xori %iota3A, %xor3A_100 : vector<16xi32>
        %broadcast_in_dim3A_102 = vector.shape_cast %xor3A_101 : vector<16xi32> to vector<16x1xi32>
        %gather3A_103 = vector.shape_cast %broadcast_in_dim3A_102 : vector<16x1xi32> to vector<16xi32>
        %gather3A_104 = tpu.dynamic_gather %max3A_98[%gather3A_103] in [0] : vector<16xf32>, vector<16xi32> -> vector<16xf32>
        %max3A_105 = arith.maximumf %max3A_98, %gather3A_104 : vector<16xf32>
        %xor3A_106 = arith.constant 1 : i32
        %xor3A_107 = vector.broadcast %xor3A_106 : i32 to vector<16xi32>
        %xor3A_108 = arith.xori %iota3A, %xor3A_107 : vector<16xi32>
        %broadcast_in_dim3A_109 = vector.shape_cast %xor3A_108 : vector<16xi32> to vector<16x1xi32>
        %gather3A_110 = vector.shape_cast %broadcast_in_dim3A_109 : vector<16x1xi32> to vector<16xi32>
        %gather3A_111 = tpu.dynamic_gather %max3A_105[%gather3A_110] in [0] : vector<16xf32>, vector<16xi32> -> vector<16xf32>
        %max3A_112 = arith.maximumf %max3A_105, %gather3A_111 : vector<16xf32>
        %broadcast_in_dim3A_113 = arith.constant 16384 : i32
        %broadcast_in_dim3A_114 = vector.broadcast %broadcast_in_dim3A_113 : i32 to vector<16xi32>
        %scan3A_115 = arith.constant 0 : i32
        %scan3A_116 = arith.constant 32 : i32
        %scan3A_117 = arith.addi %scan3A_115, %scan3A_116 : i32
        %scan3A_118 = arith.constant 1 : i32
        %scan3A_119 = scf.for %scan3A_230 = %scan3A_115 to %scan3A_117 step %scan3A_118 iter_args(%scan3A_231 = %broadcast_in_dim3A_114) -> (vector<16xi32>)  : i32 {
          %mul3A_232 = arith.constant 16 : i32
          %mul3A_233 = arith.muli %scan3A_230, %mul3A_232 : i32
          %get3A = arith.index_cast %mul3A_233 : i32 to index
          %get3A_234 = tpu.vector_load %arg6[%get3A] {strides = array<i32>} : memref<512xf32, #tpu.memory_space<vmem>>, vector<16xf32>,
          %eq3A_235 = arith.cmpf oeq, %get3A_234, %max3A_112 : vector<16xf32>
          %jit3A = arith.constant 16384 : i32
          %broadcast_in_dim3A_236 = vector.broadcast %scan3A_230 : i32 to vector<16xi32>
          %broadcast_in_dim3A_237 = vector.broadcast %jit3A : i32 to vector<16xi32>
          %select_n3A_238 = arith.select %eq3A_235, %broadcast_in_dim3A_236, %broadcast_in_dim3A_237 : vector<16xi1>, vector<16xi32>
          %min3A_239 = arith.minsi %scan3A_231, %select_n3A_238 : vector<16xi32>
          scf.yield %min3A_239 : vector<16xi32>
        }
        %scan3A_120 = arith.constant 32 : i32
        %xor3A_121 = arith.constant 8 : i32
        %xor3A_122 = vector.broadcast %xor3A_121 : i32 to vector<16xi32>
        %xor3A_123 = arith.xori %iota3A, %xor3A_122 : vector<16xi32>
        %broadcast_in_dim3A_124 = vector.shape_cast %xor3A_123 : vector<16xi32> to vector<16x1xi32>
        %gather3A_125 = vector.shape_cast %broadcast_in_dim3A_124 : vector<16x1xi32> to vector<16xi32>
        %gather3A_126 = tpu.dynamic_gather %scan3A_119[%gather3A_125] in [0] : vector<16xi32>, vector<16xi32> -> vector<16xi32>
        %min3A = arith.minsi %scan3A_119, %gather3A_126 : vector<16xi32>
        %xor3A_127 = arith.constant 4 : i32
        %xor3A_128 = vector.broadcast %xor3A_127 : i32 to vector<16xi32>
        %xor3A_129 = arith.xori %iota3A, %xor3A_128 : vector<16xi32>
        %broadcast_in_dim3A_130 = vector.shape_cast %xor3A_129 : vector<16xi32> to vector<16x1xi32>
        %gather3A_131 = vector.shape_cast %broadcast_in_dim3A_130 : vector<16x1xi32> to vector<16xi32>
        %gather3A_132 = tpu.dynamic_gather %min3A[%gather3A_131] in [0] : vector<16xi32>, vector<16xi32> -> vector<16xi32>
        %min3A_133 = arith.minsi %min3A, %gather3A_132 : vector<16xi32>
        %xor3A_134 = arith.constant 2 : i32
        %xor3A_135 = vector.broadcast %xor3A_134 : i32 to vector<16xi32>
        %xor3A_136 = arith.xori %iota3A, %xor3A_135 : vector<16xi32>
        %broadcast_in_dim3A_137 = vector.shape_cast %xor3A_136 : vector<16xi32> to vector<16x1xi32>
        %gather3A_138 = vector.shape_cast %broadcast_in_dim3A_137 : vector<16x1xi32> to vector<16xi32>
        %gather3A_139 = tpu.dynamic_gather %min3A_133[%gather3A_138] in [0] : vector<16xi32>, vector<16xi32> -> vector<16xi32>
        %min3A_140 = arith.minsi %min3A_133, %gather3A_139 : vector<16xi32>
        %xor3A_141 = arith.constant 1 : i32
        %xor3A_142 = vector.broadcast %xor3A_141 : i32 to vector<16xi32>
        %xor3A_143 = arith.xori %iota3A, %xor3A_142 : vector<16xi32>
        %broadcast_in_dim3A_144 = vector.shape_cast %xor3A_143 : vector<16xi32> to vector<16x1xi32>
        %gather3A_145 = vector.shape_cast %broadcast_in_dim3A_144 : vector<16x1xi32> to vector<16xi32>
        %gather3A_146 = tpu.dynamic_gather %min3A_140[%gather3A_145] in [0] : vector<16xi32>, vector<16xi32> -> vector<16xi32>
        %min3A_147 = arith.minsi %min3A_140, %gather3A_146 : vector<16xi32>
        %slice3A = vector.extract_strided_slice %min3A_147 {offsets = [0], sizes = [1], strides = [1]} : vector<16xi32> to vector<1xi32>
        %squeeze3A = vector.extract %slice3A[0] : i32 from vector<1xi32>
        %broadcast_in_dim3A_148 = arith.constant 16384 : i32
        %broadcast_in_dim3A_149 = vector.broadcast %broadcast_in_dim3A_148 : i32 to vector<16xi32>
        %scan3A_150 = arith.constant 0 : i32
        %scan3A_151 = arith.constant 16 : i32
        %scan3A_152 = arith.addi %scan3A_150, %scan3A_151 : i32
        %scan3A_153 = arith.constant 1 : i32
        %scan3A_154 = scf.for %scan3A_230 = %scan3A_150 to %scan3A_152 step %scan3A_153 iter_args(%scan3A_231 = %broadcast_in_dim3A_149) -> (vector<16xi32>)  : i32 {
          %mul3A_232 = arith.constant 16 : i32
          %mul3A_233 = arith.muli %squeeze3A, %mul3A_232 : i32
          %add3A_234 = arith.addi %mul3A_233, %scan3A_230 : i32
          %mul3A_235 = arith.constant 16 : i32
          %mul3A_236 = arith.muli %add3A_234, %mul3A_235 : i32
          %get3A = arith.index_cast %mul3A_236 : i32 to index
          %get3A_237 = tpu.vector_load %arg4[%get3A] {strides = array<i32>} : memref<8192xf32, #tpu.memory_space<vmem>>, vector<16xf32>,
          %mul3A_238 = arith.constant 16 : i32
          %mul3A_239 = arith.muli %squeeze3A, %mul3A_238 : i32
          %add3A_240 = arith.addi %mul3A_239, %scan3A_230 : i32
          %mul3A_241 = arith.constant 16 : i32
          %mul3A_242 = arith.muli %add3A_240, %mul3A_241 : i32
          %add3A_243 = vector.broadcast %mul3A_242 : i32 to vector<16xi32>
          %add3A_244 = arith.addi %add3A_243, %iota3A : vector<16xi32>
          %eq3A_245 = arith.cmpf oeq, %get3A_237, %max3A_112 : vector<16xf32>
          %jit3A = arith.constant 16384 : i32
          %broadcast_in_dim3A_246 = vector.broadcast %jit3A : i32 to vector<16xi32>
          %select_n3A_247 = arith.select %eq3A_245, %add3A_244, %broadcast_in_dim3A_246 : vector<16xi1>, vector<16xi32>
          %min3A_248 = arith.minsi %scan3A_231, %select_n3A_247 : vector<16xi32>
          scf.yield %min3A_248 : vector<16xi32>
        }
        %scan3A_155 = arith.constant 16 : i32
        %xor3A_156 = arith.constant 8 : i32
        %xor3A_157 = vector.broadcast %xor3A_156 : i32 to vector<16xi32>
        %xor3A_158 = arith.xori %iota3A, %xor3A_157 : vector<16xi32>
        %broadcast_in_dim3A_159 = vector.shape_cast %xor3A_158 : vector<16xi32> to vector<16x1xi32>
        %gather3A_160 = vector.shape_cast %broadcast_in_dim3A_159 : vector<16x1xi32> to vector<16xi32>
        %gather3A_161 = tpu.dynamic_gather %scan3A_154[%gather3A_160] in [0] : vector<16xi32>, vector<16xi32> -> vector<16xi32>
        %min3A_162 = arith.minsi %scan3A_154, %gather3A_161 : vector<16xi32>
        %xor3A_163 = arith.constant 4 : i32
        %xor3A_164 = vector.broadcast %xor3A_163 : i32 to vector<16xi32>
        %xor3A_165 = arith.xori %iota3A, %xor3A_164 : vector<16xi32>
        %broadcast_in_dim3A_166 = vector.shape_cast %xor3A_165 : vector<16xi32> to vector<16x1xi32>
        %gather3A_167 = vector.shape_cast %broadcast_in_dim3A_166 : vector<16x1xi32> to vector<16xi32>
        %gather3A_168 = tpu.dynamic_gather %min3A_162[%gather3A_167] in [0] : vector<16xi32>, vector<16xi32> -> vector<16xi32>
        %min3A_169 = arith.minsi %min3A_162, %gather3A_168 : vector<16xi32>
        %xor3A_170 = arith.constant 2 : i32
        %xor3A_171 = vector.broadcast %xor3A_170 : i32 to vector<16xi32>
        %xor3A_172 = arith.xori %iota3A, %xor3A_171 : vector<16xi32>
        %broadcast_in_dim3A_173 = vector.shape_cast %xor3A_172 : vector<16xi32> to vector<16x1xi32>
        %gather3A_174 = vector.shape_cast %broadcast_in_dim3A_173 : vector<16x1xi32> to vector<16xi32>
        %gather3A_175 = tpu.dynamic_gather %min3A_169[%gather3A_174] in [0] : vector<16xi32>, vector<16xi32> -> vector<16xi32>
        %min3A_176 = arith.minsi %min3A_169, %gather3A_175 : vector<16xi32>
        %xor3A_177 = arith.constant 1 : i32
        %xor3A_178 = vector.broadcast %xor3A_177 : i32 to vector<16xi32>
        %xor3A_179 = arith.xori %iota3A, %xor3A_178 : vector<16xi32>
        %broadcast_in_dim3A_180 = vector.shape_cast %xor3A_179 : vector<16xi32> to vector<16x1xi32>
        %gather3A_181 = vector.shape_cast %broadcast_in_dim3A_180 : vector<16x1xi32> to vector<16xi32>
        %gather3A_182 = tpu.dynamic_gather %min3A_176[%gather3A_181] in [0] : vector<16xi32>, vector<16xi32> -> vector<16xi32>
        %min3A_183 = arith.minsi %min3A_176, %gather3A_182 : vector<16xi32>
        %slice3A_184 = vector.extract_strided_slice %min3A_183 {offsets = [0], sizes = [1], strides = [1]} : vector<16xi32> to vector<1xi32>
        %squeeze3A_185 = vector.extract %slice3A_184[0] : i32 from vector<1xi32>
        %eq3A = vector.broadcast %scan3A_78 : i32 to vector<16xi32>
        %eq3A_186 = arith.cmpi eq, %iota3A, %eq3A : vector<16xi32>
        %add3A_187 = arith.constant 8192 : i32
        %add3A_188 = arith.addi %add3A_187, %squeeze3A_185 : i32
        %add3A_189 = arith.constant 1 : i32
        %add3A_190 = arith.addi %squeeze3A_185, %add3A_189 : i32
        %div3A = arith.divsi %add3A_188, %add3A_190 : i32
        %sign3A = arith.constant 0 : i32
        %sign3A_191 = arith.cmpi sgt, %add3A_188, %sign3A : i32
        %sign3A_192 = arith.extui %sign3A_191 : i1 to i32
        %sign3A_193 = arith.constant 0 : i32
        %sign3A_194 = arith.cmpi slt, %add3A_188, %sign3A_193 : i32
        %sign3A_195 = arith.extui %sign3A_194 : i1 to i32
        %sign3A_196 = arith.subi %sign3A_192, %sign3A_195 : i32
        %sign3A_197 = arith.constant 0 : i32
        %sign3A_198 = arith.cmpi sgt, %add3A_190, %sign3A_197 : i32
        %sign3A_199 = arith.extui %sign3A_198 : i1 to i32
        %sign3A_200 = arith.constant 0 : i32
        %sign3A_201 = arith.cmpi slt, %add3A_190, %sign3A_200 : i32
        %sign3A_202 = arith.extui %sign3A_201 : i1 to i32
        %sign3A_203 = arith.subi %sign3A_199, %sign3A_202 : i32
        %ne3A = arith.cmpi ne, %sign3A_196, %sign3A_203 : i32
        %rem3A = arith.remsi %add3A_188, %add3A_190 : i32
        %ne3A_204 = arith.constant 0 : i32
        %ne3A_205 = arith.cmpi ne, %rem3A, %ne3A_204 : i32
        %and3A = arith.andi %ne3A, %ne3A_205 : i1
        %sub3A = arith.constant 1 : i32
        %sub3A_206 = arith.subi %div3A, %sub3A : i32
        %select_n3A = arith.select %and3A, %sub3A_206, %div3A : i32
        %broadcast_in_dim3A_207 = vector.broadcast %select_n3A : i32 to vector<16xi32>
        %select_n3A_208 = arith.select %eq3A_186, %broadcast_in_dim3A_207, %scan3A_79 : vector<16xi1>, vector<16xi32>
        %broadcast_in_dim3A_209 = arith.constant 0 : i32
        %broadcast_in_dim3A_210 = vector.broadcast %broadcast_in_dim3A_209 : i32 to vector<16xi32>
        %add3A_211 = vector.broadcast %squeeze3A_185 : i32 to vector<16xi32>
        %add3A_212 = arith.addi %broadcast_in_dim3A_210, %add3A_211 : vector<16xi32>
        %broadcast_in_dim3A_213 = arith.constant -3.000000e+00 : f32
        %broadcast_in_dim3A_214 = vector.broadcast %broadcast_in_dim3A_213 : f32 to vector<16xf32>
        %eq3A_215 = arith.constant 0 : i32
        %eq3A_216 = vector.broadcast %eq3A_215 : i32 to vector<16xi32>
        %eq3A_217 = arith.cmpi eq, %iota3A, %eq3A_216 : vector<16xi32>
        tpu.vector_store_idx %arg4[%add3A_212], %broadcast_in_dim3A_214 masked %eq3A_217 : memref<8192xf32, #tpu.memory_space<vmem>>[vector<16xi32>], vector<16xf32>, vector<16xi1>
        %broadcast_in_dim3A_218 = arith.constant -1.000000e+00 : f32
        %broadcast_in_dim3A_219 = vector.broadcast %broadcast_in_dim3A_218 : f32 to vector<16xf32>
        %scan3A_220 = arith.constant 0 : i32
        %scan3A_221 = arith.constant 16 : i32
        %scan3A_222 = arith.addi %scan3A_220, %scan3A_221 : i32
        %scan3A_223 = arith.constant 1 : i32
        %scan3A_224 = scf.for %scan3A_230 = %scan3A_220 to %scan3A_222 step %scan3A_223 iter_args(%scan3A_231 = %broadcast_in_dim3A_219) -> (vector<16xf32>)  : i32 {
          %mul3A_232 = arith.constant 16 : i32
          %mul3A_233 = arith.muli %squeeze3A, %mul3A_232 : i32
          %add3A_234 = arith.addi %mul3A_233, %scan3A_230 : i32
          %mul3A_235 = arith.constant 16 : i32
          %mul3A_236 = arith.muli %add3A_234, %mul3A_235 : i32
          %get3A = arith.index_cast %mul3A_236 : i32 to index
          %get3A_237 = tpu.vector_load %arg4[%get3A] {strides = array<i32>} : memref<8192xf32, #tpu.memory_space<vmem>>, vector<16xf32>,
          %max3A_238 = arith.maximumf %scan3A_231, %get3A_237 : vector<16xf32>
          scf.yield %max3A_238 : vector<16xf32>
        }
        %scan3A_225 = arith.constant 16 : i32
        %mul3A_226 = arith.constant 16 : i32
        %mul3A_227 = arith.muli %squeeze3A, %mul3A_226 : i32
        %swap3A_228 = arith.index_cast %mul3A_227 : i32 to index
        %swap3A_229 = tpu.vector_load %arg6[%swap3A_228] {strides = array<i32>} : memref<512xf32, #tpu.memory_space<vmem>>, vector<16xf32>,
        tpu.vector_store %arg6[%swap3A_228], %scan3A_224 {strides = array<i32>} : memref<512xf32, #tpu.memory_space<vmem>>, vector<16xf32>,
        scf.yield %select_n3A_208 : vector<16xi32>
      }
      %scan3A_46 = arith.constant 8 : i32
      %mul3A_47 = arith.constant 16 : i32
      %mul3A_48 = arith.muli %mul3A_33, %mul3A_47 : i32
      %swap3A = arith.index_cast %mul3A_48 : i32 to index
      %swap3A_49 = tpu.vector_load %arg7[%swap3A] {strides = array<i32>} : memref<512xi32, #tpu.memory_space<vmem>>, vector<16xi32>,
      tpu.vector_store %arg7[%swap3A], %scan3A_45 {strides = array<i32>} : memref<512xi32, #tpu.memory_space<vmem>>, vector<16xi32>,
      %dma_wait3A_50 = arith.constant 0 : i32
      %dma_wait3A_51 = tpu.memref_slice %arg2[%add3A_15, %dma_wait3A_50] : memref<1024x8192xf32, #tpu.memory_space<hbm>> -> memref<1x8192xf32, #tpu.memory_space<hbm>>
      %dma_wait3A_52 = tpu.memref_squeeze %dma_wait3A_51 : memref<1x8192xf32, #tpu.memory_space<hbm>> -> memref<8192xf32, #tpu.memory_space<hbm>>
      %dma_wait3A_53 = arith.constant 0 : i32
      %dma_wait3A_54 = tpu.memref_slice %arg2[%add3A_15, %dma_wait3A_53] : memref<1024x8192xf32, #tpu.memory_space<hbm>> -> memref<1x8192xf32, #tpu.memory_space<hbm>>
      %dma_wait3A_55 = tpu.memref_squeeze %dma_wait3A_54 : memref<1x8192xf32, #tpu.memory_space<hbm>> -> memref<8192xf32, #tpu.memory_space<hbm>>
      tpu.wait_dma2 semaphore(%arg9 : memref<!tpu.dma_semaphore, #tpu.memory_space<semaphore_mem>>) src(%dma_wait3A_55 : memref<8192xf32, #tpu.memory_space<hbm>>) dst(%arg5 : memref<8192xf32, #tpu.memory_space<vmem>>)
      %mul3A_56 = arith.constant 2 : i32
      %mul3A_57 = arith.muli %mul3A_56, %scan3A_8 : i32
      %add3A_58 = arith.constant 1 : i32
      %add3A_59 = arith.addi %mul3A_57, %add3A_58 : i32
      %scan3A_60 = arith.constant 0 : i32
      %scan3A_61 = arith.constant 0 : i32
      %scan3A_62 = arith.constant 32 : i32
      %scan3A_63 = arith.addi %scan3A_61, %scan3A_62 : i32
      %scan3A_64 = arith.constant 1 : i32
      scf.for %scan3A_78 = %scan3A_61 to %scan3A_63 step %scan3A_64  : i32 {
        %broadcast_in_dim3A_79 = arith.constant -1.000000e+00 : f32
        %broadcast_in_dim3A_80 = vector.broadcast %broadcast_in_dim3A_79 : f32 to vector<16xf32>
        %scan3A_81 = arith.constant 0 : i32
        %scan3A_82 = arith.constant 16 : i32
        %scan3A_83 = arith.addi %scan3A_81, %scan3A_82 : i32
        %scan3A_84 = arith.constant 1 : i32
        %scan3A_85 = scf.for %scan3A_91 = %scan3A_81 to %scan3A_83 step %scan3A_84 iter_args(%scan3A_92 = %broadcast_in_dim3A_80) -> (vector<16xf32>)  : i32 {
          %mul3A_93 = arith.constant 16 : i32
          %mul3A_94 = arith.muli %scan3A_78, %mul3A_93 : i32
          %add3A_95 = arith.addi %mul3A_94, %scan3A_91 : i32
          %mul3A_96 = arith.constant 16 : i32
          %mul3A_97 = arith.muli %add3A_95, %mul3A_96 : i32
          %get3A = arith.index_cast %mul3A_97 : i32 to index
          %get3A_98 = tpu.vector_load %arg5[%get3A] {strides = array<i32>} : memref<8192xf32, #tpu.memory_space<vmem>>, vector<16xf32>,
          %max3A = arith.maximumf %scan3A_92, %get3A_98 : vector<16xf32>
          scf.yield %max3A : vector<16xf32>
        }
        %scan3A_86 = arith.constant 16 : i32
        %mul3A_87 = arith.constant 16 : i32
        %mul3A_88 = arith.muli %scan3A_78, %mul3A_87 : i32
        %swap3A_89 = arith.index_cast %mul3A_88 : i32 to index
        %swap3A_90 = tpu.vector_load %arg6[%swap3A_89] {strides = array<i32>} : memref<512xf32, #tpu.memory_space<vmem>>, vector<16xf32>,
        tpu.vector_store %arg6[%swap3A_89], %scan3A_85 {strides = array<i32>} : memref<512xf32, #tpu.memory_space<vmem>>, vector<16xf32>,
      }
      %scan3A_65 = arith.constant 32 : i32
      %broadcast_in_dim3A_66 = arith.constant 0 : i32
      %broadcast_in_dim3A_67 = vector.broadcast %broadcast_in_dim3A_66 : i32 to vector<16xi32>
      %scan3A_68 = arith.constant 0 : i32
      %scan3A_69 = arith.constant 8 : i32
      %scan3A_70 = arith.addi %scan3A_68, %scan3A_69 : i32
      %scan3A_71 = arith.constant 1 : i32
      %scan3A_72 = scf.for %scan3A_78 = %scan3A_68 to %scan3A_70 step %scan3A_71 iter_args(%scan3A_79 = %broadcast_in_dim3A_67) -> (vector<16xi32>)  : i32 {
        %broadcast_in_dim3A_80 = arith.constant -2.000000e+00 : f32
        %broadcast_in_dim3A_81 = vector.broadcast %broadcast_in_dim3A_80 : f32 to vector<16xf32>
        %scan3A_82 = arith.constant 0 : i32
        %scan3A_83 = arith.constant 32 : i32
        %scan3A_84 = arith.addi %scan3A_82, %scan3A_83 : i32
        %scan3A_85 = arith.constant 1 : i32
        %scan3A_86 = scf.for %scan3A_230 = %scan3A_82 to %scan3A_84 step %scan3A_85 iter_args(%scan3A_231 = %broadcast_in_dim3A_81) -> (vector<16xf32>)  : i32 {
          %mul3A_232 = arith.constant 16 : i32
          %mul3A_233 = arith.muli %scan3A_230, %mul3A_232 : i32
          %get3A = arith.index_cast %mul3A_233 : i32 to index
          %get3A_234 = tpu.vector_load %arg6[%get3A] {strides = array<i32>} : memref<512xf32, #tpu.memory_space<vmem>>, vector<16xf32>,
          %max3A_235 = arith.maximumf %scan3A_231, %get3A_234 : vector<16xf32>
          scf.yield %max3A_235 : vector<16xf32>
        }
        %scan3A_87 = arith.constant 32 : i32
        %xor3A = arith.constant 8 : i32
        %xor3A_88 = vector.broadcast %xor3A : i32 to vector<16xi32>
        %xor3A_89 = arith.xori %iota3A, %xor3A_88 : vector<16xi32>
        %broadcast_in_dim3A_90 = vector.shape_cast %xor3A_89 : vector<16xi32> to vector<16x1xi32>
        %gather3A = vector.shape_cast %broadcast_in_dim3A_90 : vector<16x1xi32> to vector<16xi32>
        %gather3A_91 = tpu.dynamic_gather %scan3A_86[%gather3A] in [0] : vector<16xf32>, vector<16xi32> -> vector<16xf32>
        %max3A = arith.maximumf %scan3A_86, %gather3A_91 : vector<16xf32>
        %xor3A_92 = arith.constant 4 : i32
        %xor3A_93 = vector.broadcast %xor3A_92 : i32 to vector<16xi32>
        %xor3A_94 = arith.xori %iota3A, %xor3A_93 : vector<16xi32>
        %broadcast_in_dim3A_95 = vector.shape_cast %xor3A_94 : vector<16xi32> to vector<16x1xi32>
        %gather3A_96 = vector.shape_cast %broadcast_in_dim3A_95 : vector<16x1xi32> to vector<16xi32>
        %gather3A_97 = tpu.dynamic_gather %max3A[%gather3A_96] in [0] : vector<16xf32>, vector<16xi32> -> vector<16xf32>
        %max3A_98 = arith.maximumf %max3A, %gather3A_97 : vector<16xf32>
        %xor3A_99 = arith.constant 2 : i32
        %xor3A_100 = vector.broadcast %xor3A_99 : i32 to vector<16xi32>
        %xor3A_101 = arith.xori %iota3A, %xor3A_100 : vector<16xi32>
        %broadcast_in_dim3A_102 = vector.shape_cast %xor3A_101 : vector<16xi32> to vector<16x1xi32>
        %gather3A_103 = vector.shape_cast %broadcast_in_dim3A_102 : vector<16x1xi32> to vector<16xi32>
        %gather3A_104 = tpu.dynamic_gather %max3A_98[%gather3A_103] in [0] : vector<16xf32>, vector<16xi32> -> vector<16xf32>
        %max3A_105 = arith.maximumf %max3A_98, %gather3A_104 : vector<16xf32>
        %xor3A_106 = arith.constant 1 : i32
        %xor3A_107 = vector.broadcast %xor3A_106 : i32 to vector<16xi32>
        %xor3A_108 = arith.xori %iota3A, %xor3A_107 : vector<16xi32>
        %broadcast_in_dim3A_109 = vector.shape_cast %xor3A_108 : vector<16xi32> to vector<16x1xi32>
        %gather3A_110 = vector.shape_cast %broadcast_in_dim3A_109 : vector<16x1xi32> to vector<16xi32>
        %gather3A_111 = tpu.dynamic_gather %max3A_105[%gather3A_110] in [0] : vector<16xf32>, vector<16xi32> -> vector<16xf32>
        %max3A_112 = arith.maximumf %max3A_105, %gather3A_111 : vector<16xf32>
        %broadcast_in_dim3A_113 = arith.constant 16384 : i32
        %broadcast_in_dim3A_114 = vector.broadcast %broadcast_in_dim3A_113 : i32 to vector<16xi32>
        %scan3A_115 = arith.constant 0 : i32
        %scan3A_116 = arith.constant 32 : i32
        %scan3A_117 = arith.addi %scan3A_115, %scan3A_116 : i32
        %scan3A_118 = arith.constant 1 : i32
        %scan3A_119 = scf.for %scan3A_230 = %scan3A_115 to %scan3A_117 step %scan3A_118 iter_args(%scan3A_231 = %broadcast_in_dim3A_114) -> (vector<16xi32>)  : i32 {
          %mul3A_232 = arith.constant 16 : i32
          %mul3A_233 = arith.muli %scan3A_230, %mul3A_232 : i32
          %get3A = arith.index_cast %mul3A_233 : i32 to index
          %get3A_234 = tpu.vector_load %arg6[%get3A] {strides = array<i32>} : memref<512xf32, #tpu.memory_space<vmem>>, vector<16xf32>,
          %eq3A_235 = arith.cmpf oeq, %get3A_234, %max3A_112 : vector<16xf32>
          %jit3A = arith.constant 16384 : i32
          %broadcast_in_dim3A_236 = vector.broadcast %scan3A_230 : i32 to vector<16xi32>
          %broadcast_in_dim3A_237 = vector.broadcast %jit3A : i32 to vector<16xi32>
          %select_n3A_238 = arith.select %eq3A_235, %broadcast_in_dim3A_236, %broadcast_in_dim3A_237 : vector<16xi1>, vector<16xi32>
          %min3A_239 = arith.minsi %scan3A_231, %select_n3A_238 : vector<16xi32>
          scf.yield %min3A_239 : vector<16xi32>
        }
        %scan3A_120 = arith.constant 32 : i32
        %xor3A_121 = arith.constant 8 : i32
        %xor3A_122 = vector.broadcast %xor3A_121 : i32 to vector<16xi32>
        %xor3A_123 = arith.xori %iota3A, %xor3A_122 : vector<16xi32>
        %broadcast_in_dim3A_124 = vector.shape_cast %xor3A_123 : vector<16xi32> to vector<16x1xi32>
        %gather3A_125 = vector.shape_cast %broadcast_in_dim3A_124 : vector<16x1xi32> to vector<16xi32>
        %gather3A_126 = tpu.dynamic_gather %scan3A_119[%gather3A_125] in [0] : vector<16xi32>, vector<16xi32> -> vector<16xi32>
        %min3A = arith.minsi %scan3A_119, %gather3A_126 : vector<16xi32>
        %xor3A_127 = arith.constant 4 : i32
        %xor3A_128 = vector.broadcast %xor3A_127 : i32 to vector<16xi32>
        %xor3A_129 = arith.xori %iota3A, %xor3A_128 : vector<16xi32>
        %broadcast_in_dim3A_130 = vector.shape_cast %xor3A_129 : vector<16xi32> to vector<16x1xi32>
        %gather3A_131 = vector.shape_cast %broadcast_in_dim3A_130 : vector<16x1xi32> to vector<16xi32>
        %gather3A_132 = tpu.dynamic_gather %min3A[%gather3A_131] in [0] : vector<16xi32>, vector<16xi32> -> vector<16xi32>
        %min3A_133 = arith.minsi %min3A, %gather3A_132 : vector<16xi32>
        %xor3A_134 = arith.constant 2 : i32
        %xor3A_135 = vector.broadcast %xor3A_134 : i32 to vector<16xi32>
        %xor3A_136 = arith.xori %iota3A, %xor3A_135 : vector<16xi32>
        %broadcast_in_dim3A_137 = vector.shape_cast %xor3A_136 : vector<16xi32> to vector<16x1xi32>
        %gather3A_138 = vector.shape_cast %broadcast_in_dim3A_137 : vector<16x1xi32> to vector<16xi32>
        %gather3A_139 = tpu.dynamic_gather %min3A_133[%gather3A_138] in [0] : vector<16xi32>, vector<16xi32> -> vector<16xi32>
        %min3A_140 = arith.minsi %min3A_133, %gather3A_139 : vector<16xi32>
        %xor3A_141 = arith.constant 1 : i32
        %xor3A_142 = vector.broadcast %xor3A_141 : i32 to vector<16xi32>
        %xor3A_143 = arith.xori %iota3A, %xor3A_142 : vector<16xi32>
        %broadcast_in_dim3A_144 = vector.shape_cast %xor3A_143 : vector<16xi32> to vector<16x1xi32>
        %gather3A_145 = vector.shape_cast %broadcast_in_dim3A_144 : vector<16x1xi32> to vector<16xi32>
        %gather3A_146 = tpu.dynamic_gather %min3A_140[%gather3A_145] in [0] : vector<16xi32>, vector<16xi32> -> vector<16xi32>
        %min3A_147 = arith.minsi %min3A_140, %gather3A_146 : vector<16xi32>
        %slice3A = vector.extract_strided_slice %min3A_147 {offsets = [0], sizes = [1], strides = [1]} : vector<16xi32> to vector<1xi32>
        %squeeze3A = vector.extract %slice3A[0] : i32 from vector<1xi32>
        %broadcast_in_dim3A_148 = arith.constant 16384 : i32
        %broadcast_in_dim3A_149 = vector.broadcast %broadcast_in_dim3A_148 : i32 to vector<16xi32>
        %scan3A_150 = arith.constant 0 : i32
        %scan3A_151 = arith.constant 16 : i32
        %scan3A_152 = arith.addi %scan3A_150, %scan3A_151 : i32
        %scan3A_153 = arith.constant 1 : i32
        %scan3A_154 = scf.for %scan3A_230 = %scan3A_150 to %scan3A_152 step %scan3A_153 iter_args(%scan3A_231 = %broadcast_in_dim3A_149) -> (vector<16xi32>)  : i32 {
          %mul3A_232 = arith.constant 16 : i32
          %mul3A_233 = arith.muli %squeeze3A, %mul3A_232 : i32
          %add3A_234 = arith.addi %mul3A_233, %scan3A_230 : i32
          %mul3A_235 = arith.constant 16 : i32
          %mul3A_236 = arith.muli %add3A_234, %mul3A_235 : i32
          %get3A = arith.index_cast %mul3A_236 : i32 to index
          %get3A_237 = tpu.vector_load %arg5[%get3A] {strides = array<i32>} : memref<8192xf32, #tpu.memory_space<vmem>>, vector<16xf32>,
          %mul3A_238 = arith.constant 16 : i32
          %mul3A_239 = arith.muli %squeeze3A, %mul3A_238 : i32
          %add3A_240 = arith.addi %mul3A_239, %scan3A_230 : i32
          %mul3A_241 = arith.constant 16 : i32
          %mul3A_242 = arith.muli %add3A_240, %mul3A_241 : i32
          %add3A_243 = vector.broadcast %mul3A_242 : i32 to vector<16xi32>
          %add3A_244 = arith.addi %add3A_243, %iota3A : vector<16xi32>
          %eq3A_245 = arith.cmpf oeq, %get3A_237, %max3A_112 : vector<16xf32>
          %jit3A = arith.constant 16384 : i32
          %broadcast_in_dim3A_246 = vector.broadcast %jit3A : i32 to vector<16xi32>
          %select_n3A_247 = arith.select %eq3A_245, %add3A_244, %broadcast_in_dim3A_246 : vector<16xi1>, vector<16xi32>
          %min3A_248 = arith.minsi %scan3A_231, %select_n3A_247 : vector<16xi32>
          scf.yield %min3A_248 : vector<16xi32>
        }
        %scan3A_155 = arith.constant 16 : i32
        %xor3A_156 = arith.constant 8 : i32
        %xor3A_157 = vector.broadcast %xor3A_156 : i32 to vector<16xi32>
        %xor3A_158 = arith.xori %iota3A, %xor3A_157 : vector<16xi32>
        %broadcast_in_dim3A_159 = vector.shape_cast %xor3A_158 : vector<16xi32> to vector<16x1xi32>
        %gather3A_160 = vector.shape_cast %broadcast_in_dim3A_159 : vector<16x1xi32> to vector<16xi32>
        %gather3A_161 = tpu.dynamic_gather %scan3A_154[%gather3A_160] in [0] : vector<16xi32>, vector<16xi32> -> vector<16xi32>
        %min3A_162 = arith.minsi %scan3A_154, %gather3A_161 : vector<16xi32>
        %xor3A_163 = arith.constant 4 : i32
        %xor3A_164 = vector.broadcast %xor3A_163 : i32 to vector<16xi32>
        %xor3A_165 = arith.xori %iota3A, %xor3A_164 : vector<16xi32>
        %broadcast_in_dim3A_166 = vector.shape_cast %xor3A_165 : vector<16xi32> to vector<16x1xi32>
        %gather3A_167 = vector.shape_cast %broadcast_in_dim3A_166 : vector<16x1xi32> to vector<16xi32>
        %gather3A_168 = tpu.dynamic_gather %min3A_162[%gather3A_167] in [0] : vector<16xi32>, vector<16xi32> -> vector<16xi32>
        %min3A_169 = arith.minsi %min3A_162, %gather3A_168 : vector<16xi32>
        %xor3A_170 = arith.constant 2 : i32
        %xor3A_171 = vector.broadcast %xor3A_170 : i32 to vector<16xi32>
        %xor3A_172 = arith.xori %iota3A, %xor3A_171 : vector<16xi32>
        %broadcast_in_dim3A_173 = vector.shape_cast %xor3A_172 : vector<16xi32> to vector<16x1xi32>
        %gather3A_174 = vector.shape_cast %broadcast_in_dim3A_173 : vector<16x1xi32> to vector<16xi32>
        %gather3A_175 = tpu.dynamic_gather %min3A_169[%gather3A_174] in [0] : vector<16xi32>, vector<16xi32> -> vector<16xi32>
        %min3A_176 = arith.minsi %min3A_169, %gather3A_175 : vector<16xi32>
        %xor3A_177 = arith.constant 1 : i32
        %xor3A_178 = vector.broadcast %xor3A_177 : i32 to vector<16xi32>
        %xor3A_179 = arith.xori %iota3A, %xor3A_178 : vector<16xi32>
        %broadcast_in_dim3A_180 = vector.shape_cast %xor3A_179 : vector<16xi32> to vector<16x1xi32>
        %gather3A_181 = vector.shape_cast %broadcast_in_dim3A_180 : vector<16x1xi32> to vector<16xi32>
        %gather3A_182 = tpu.dynamic_gather %min3A_176[%gather3A_181] in [0] : vector<16xi32>, vector<16xi32> -> vector<16xi32>
        %min3A_183 = arith.minsi %min3A_176, %gather3A_182 : vector<16xi32>
        %slice3A_184 = vector.extract_strided_slice %min3A_183 {offsets = [0], sizes = [1], strides = [1]} : vector<16xi32> to vector<1xi32>
        %squeeze3A_185 = vector.extract %slice3A_184[0] : i32 from vector<1xi32>
        %eq3A = vector.broadcast %scan3A_78 : i32 to vector<16xi32>
        %eq3A_186 = arith.cmpi eq, %iota3A, %eq3A : vector<16xi32>
        %add3A_187 = arith.constant 8192 : i32
        %add3A_188 = arith.addi %add3A_187, %squeeze3A_185 : i32
        %add3A_189 = arith.constant 1 : i32
        %add3A_190 = arith.addi %squeeze3A_185, %add3A_189 : i32
        %div3A = arith.divsi %add3A_188, %add3A_190 : i32
        %sign3A = arith.constant 0 : i32
        %sign3A_191 = arith.cmpi sgt, %add3A_188, %sign3A : i32
        %sign3A_192 = arith.extui %sign3A_191 : i1 to i32
        %sign3A_193 = arith.constant 0 : i32
        %sign3A_194 = arith.cmpi slt, %add3A_188, %sign3A_193 : i32
        %sign3A_195 = arith.extui %sign3A_194 : i1 to i32
        %sign3A_196 = arith.subi %sign3A_192, %sign3A_195 : i32
        %sign3A_197 = arith.constant 0 : i32
        %sign3A_198 = arith.cmpi sgt, %add3A_190, %sign3A_197 : i32
        %sign3A_199 = arith.extui %sign3A_198 : i1 to i32
        %sign3A_200 = arith.constant 0 : i32
        %sign3A_201 = arith.cmpi slt, %add3A_190, %sign3A_200 : i32
        %sign3A_202 = arith.extui %sign3A_201 : i1 to i32
        %sign3A_203 = arith.subi %sign3A_199, %sign3A_202 : i32
        %ne3A = arith.cmpi ne, %sign3A_196, %sign3A_203 : i32
        %rem3A = arith.remsi %add3A_188, %add3A_190 : i32
        %ne3A_204 = arith.constant 0 : i32
        %ne3A_205 = arith.cmpi ne, %rem3A, %ne3A_204 : i32
        %and3A = arith.andi %ne3A, %ne3A_205 : i1
        %sub3A = arith.constant 1 : i32
        %sub3A_206 = arith.subi %div3A, %sub3A : i32
        %select_n3A = arith.select %and3A, %sub3A_206, %div3A : i32
        %broadcast_in_dim3A_207 = vector.broadcast %select_n3A : i32 to vector<16xi32>
        %select_n3A_208 = arith.select %eq3A_186, %broadcast_in_dim3A_207, %scan3A_79 : vector<16xi1>, vector<16xi32>
        %broadcast_in_dim3A_209 = arith.constant 0 : i32
        %broadcast_in_dim3A_210 = vector.broadcast %broadcast_in_dim3A_209 : i32 to vector<16xi32>
        %add3A_211 = vector.broadcast %squeeze3A_185 : i32 to vector<16xi32>
        %add3A_212 = arith.addi %broadcast_in_dim3A_210, %add3A_211 : vector<16xi32>
        %broadcast_in_dim3A_213 = arith.constant -3.000000e+00 : f32
        %broadcast_in_dim3A_214 = vector.broadcast %broadcast_in_dim3A_213 : f32 to vector<16xf32>
        %eq3A_215 = arith.constant 0 : i32
        %eq3A_216 = vector.broadcast %eq3A_215 : i32 to vector<16xi32>
        %eq3A_217 = arith.cmpi eq, %iota3A, %eq3A_216 : vector<16xi32>
        tpu.vector_store_idx %arg5[%add3A_212], %broadcast_in_dim3A_214 masked %eq3A_217 : memref<8192xf32, #tpu.memory_space<vmem>>[vector<16xi32>], vector<16xf32>, vector<16xi1>
        %broadcast_in_dim3A_218 = arith.constant -1.000000e+00 : f32
        %broadcast_in_dim3A_219 = vector.broadcast %broadcast_in_dim3A_218 : f32 to vector<16xf32>
        %scan3A_220 = arith.constant 0 : i32
        %scan3A_221 = arith.constant 16 : i32
        %scan3A_222 = arith.addi %scan3A_220, %scan3A_221 : i32
        %scan3A_223 = arith.constant 1 : i32
        %scan3A_224 = scf.for %scan3A_230 = %scan3A_220 to %scan3A_222 step %scan3A_223 iter_args(%scan3A_231 = %broadcast_in_dim3A_219) -> (vector<16xf32>)  : i32 {
          %mul3A_232 = arith.constant 16 : i32
          %mul3A_233 = arith.muli %squeeze3A, %mul3A_232 : i32
          %add3A_234 = arith.addi %mul3A_233, %scan3A_230 : i32
          %mul3A_235 = arith.constant 16 : i32
          %mul3A_236 = arith.muli %add3A_234, %mul3A_235 : i32
          %get3A = arith.index_cast %mul3A_236 : i32 to index
          %get3A_237 = tpu.vector_load %arg5[%get3A] {strides = array<i32>} : memref<8192xf32, #tpu.memory_space<vmem>>, vector<16xf32>,
          %max3A_238 = arith.maximumf %scan3A_231, %get3A_237 : vector<16xf32>
          scf.yield %max3A_238 : vector<16xf32>
        }
        %scan3A_225 = arith.constant 16 : i32
        %mul3A_226 = arith.constant 16 : i32
        %mul3A_227 = arith.muli %squeeze3A, %mul3A_226 : i32
        %swap3A_228 = arith.index_cast %mul3A_227 : i32 to index
        %swap3A_229 = tpu.vector_load %arg6[%swap3A_228] {strides = array<i32>} : memref<512xf32, #tpu.memory_space<vmem>>, vector<16xf32>,
        tpu.vector_store %arg6[%swap3A_228], %scan3A_224 {strides = array<i32>} : memref<512xf32, #tpu.memory_space<vmem>>, vector<16xf32>,
        scf.yield %select_n3A_208 : vector<16xi32>
      }
      %scan3A_73 = arith.constant 8 : i32
      %mul3A_74 = arith.constant 16 : i32
      %mul3A_75 = arith.muli %add3A_59, %mul3A_74 : i32
      %swap3A_76 = arith.index_cast %mul3A_75 : i32 to index
      %swap3A_77 = tpu.vector_load %arg7[%swap3A_76] {strides = array<i32>} : memref<512xi32, #tpu.memory_space<vmem>>, vector<16xi32>,
      tpu.vector_store %arg7[%swap3A_76], %scan3A_72 {strides = array<i32>} : memref<512xi32, #tpu.memory_space<vmem>>, vector<16xi32>,
    }
    %scan3A_5 = arith.constant 16 : i32
    %mul3A_6 = arith.constant 512 : i32
    %mul3A_7 = arith.muli %add3A, %mul3A_6 : i32
    "tpu.region"() ({
      %run_scoped3A = tpu.sem_alloc : memref<!tpu.dma_semaphore, #tpu.memory_space<semaphore_mem>>
      %dma_start3A = tpu.memref_slice %arg3[%mul3A_7] : memref<16384xi32, #tpu.memory_space<hbm>> -> memref<512xi32, #tpu.memory_space<hbm>>
      %dma_start3A_8 = tpu.memref_slice %arg3[%mul3A_7] : memref<16384xi32, #tpu.memory_space<hbm>> -> memref<512xi32, #tpu.memory_space<hbm>>
      tpu.enqueue_dma source(%arg7 : memref<512xi32, #tpu.memory_space<vmem>>) target(%dma_start3A_8 : memref<512xi32, #tpu.memory_space<hbm>>) target_semaphore(%run_scoped3A : memref<!tpu.dma_semaphore, #tpu.memory_space<semaphore_mem>>)
      %dma_wait3A = tpu.memref_slice %arg3[%mul3A_7] : memref<16384xi32, #tpu.memory_space<hbm>> -> memref<512xi32, #tpu.memory_space<hbm>>
      %dma_wait3A_9 = tpu.memref_slice %arg3[%mul3A_7] : memref<16384xi32, #tpu.memory_space<hbm>> -> memref<512xi32, #tpu.memory_space<hbm>>
      tpu.wait_dma2 semaphore(%run_scoped3A : memref<!tpu.dma_semaphore, #tpu.memory_space<semaphore_mem>>) src(%arg7 : memref<512xi32, #tpu.memory_space<vmem>>) dst(%dma_wait3A_9 : memref<512xi32, #tpu.memory_space<hbm>>)
      tpu.yield
    }) : () -> ()
    return
  }
}

</mosaic_0001>

<sc_bundles>
// kernel: kernel.3.cloned.1.call-start
scs
__scs_entry_jumppad:
0x0: {  	(pc) =	sbr.rel $0x88, $3  }
0x1: {  	(tag) =	ssettag $0x0;
	lr =	simm.s32 $0x1  }
0x2: {  	[smem:$0x3FA0] =	sst lr;
	_ =	strace $0xD0000000  }
0x3: {  	_ = 	snop  }
0x4: {  	_ = 	snop  }
0x5: {  	_ = 	snop  }
0x6: {  	_ = 	snop  }
0x7: {  	_ = 	snop  }
__scs_overlays_trampoline_lowered:
0x8: {  	[smem:$0x3FAF] =	sst s0  }
0x9: {  	[smem:$0x3FB0] =	sst s1  }
0xa: {  	[smem:$0x3FB1] =	sst s2  }
0xb: {  	[smem:$0x3FB2] =	sst s3  }
0xc: {  	[smem:$0x3FB3] =	sst s4  }
0xd: {  	[smem:$0x3FB4] =	sst s5  }
0xe: {  	[smem:$0x3FB5] =	sst s6  }
0xf: {  	[smem:$0x3FB6] =	sst s7  }
0x10: {  	[smem:$0x3FB7] =	sst s8  }
0x11: {  	[smem:$0x3FB8] =	sst s9;
	s0 =	simm.s32 @!p0 $0x0  }
0x12: {  	s1 =	sld [smem:$0x3F9E];
	s0 =	simm.s32 @p0 $0x1  }
0x13: {  	[smem:$0x3FB9] =	sst s0;
	s0 =	simm.s32 @!p1 $0x0  }
0x14: {  	s2 =	sld [smem:$0x3F9D];
	s0 =	simm.s32 @p1 $0x1  }
0x15: {  	[smem:$0x3FBA] =	sst s0;
	s0 =	simm.s32 @!p2 $0x0  }
0x16: {  	s3 =	sld [smem:$0x3FDB];
	s0 =	simm.s32 @p2 $0x1  }
0x17: {  	s4 =	simm.s32 $0x1BF5;
	[smem:$0x3FBC] =	sst s0  }
0x18: {  	s0 =	sld [smem:$0x3F9F];
	_ =	swait.ge [sflag:s4], $0x0  }
0x19: {  	s7 =	sld [smem:$0x3FA0]  }
0x1a: {  	s8 =	sadd.s32 $0xFFFFE003, lr  }
0x1b: {  	s9 =	sadd.s32 $0xFFFFFEF7, lr;
	s5 =	simm.s32 $0xFFFFFFFF;
	p2 =	slt.u32 s8, $0xFFFFF086  }
0x1c: {  	p1 =	slt.u32 s9, $0xF7A;
	s5 =	simm.s32 @!p2 $0x0  }
0x1d: {  	s5 =	simm.s32 @p1 $0x1;
	p0 =	seq.s32 s7, s2  }
0x1e: {  	s7 =	smul.u32 @!p0 $0xF7A, s2;
	p2 =	seq.s32 @!p0 s5, $0x0  }
0x1f: {  	s9 =	smul.u32 $0xF7A, s1;
	s8 =	simm.s32 @!p0 $0x1BF5;
	p2 =	por !p2, p0  }
0x20: {  	[sflag:s8] =	ssyncset.s32 @!p0 $0xFFFFF086;
	s6 =	sadd.s32 @!p0 s3, s7;
	s7 =	simm.s32 @!p0 $0x108  }
0x21: {  	s3 =	sadd.s32 s3, s9;
	s6 =	sadd.s32 @!p0 $0x88, s6;
	s7 =	simm.s32 @p2 $0x1082  }
0x22: {  	[simem:s7], [sflag:s8] =	dma.local @!p0 [hbm:s6], $0xF7A  }
0x23: {  	s9 =	sor.u32 $0xD0000000, s2;
	s6 =	simm.s32 $0x108;
	_ =	swait.ge @!p0 [sflag:s8], $0x0  }
0x24: {  	s3 =	sadd.s32 $0x88, s3;
	s6 =	simm.s32 @!p1 $0x1082;
	[sflag:s4] =	ssyncset.s32 $0xFFFFF086  }
0x25: {  	[simem:s6], [sflag:s4] =	dma.local [hbm:s3], $0xF7A  }
0x26: {  	[smem:$0x3FA0] =	sst s1;
	(tag) =	ssettag s2;
	_ =	strace s9  }
0x27: {  	s1 =	sld [smem:$0x3FB0]  }
0x28: {  	s2 =	sld [smem:$0x3FB1]  }
0x29: {  	s4 =	sld [smem:$0x3FB3]  }
0x2a: {  	p0 =	seq.s32 s5, $0x0;
	s5 =	sld [smem:$0x3FB4]  }
0x2b: {  	s6 =	sld [smem:$0x3FB5]  }
0x2c: {  	s7 =	sld [smem:$0x3FB6]  }
0x2d: {  	s3 =	simm.s32 $0x108;
	s8 =	sld [smem:$0x3FB7]  }
0x2e: {  	s3 =	simm.s32 @!p0 $0x1082;
	s9 =	sld [smem:$0x3FB8]  }
0x2f: {  	lr =	sadd.s32 s0, s3;
	s0 =	sld [smem:$0x3FAF]  }
0x30: {  	s3 =	sld [smem:$0x3FB2]  }
0x31: {  	[smem:$0x3FBB] =	sst s10  }
0x32: {  	s10 =	sld [smem:$0x3FB9];
	_ =	sdelay $0x3  }
0x33: {  	p0 =	seq.s32 s10, $0x1;
	s10 =	sld [smem:$0x3FBB];
	_ =	sdelay $0x3  }
0x34: {  	[smem:$0x3FBB] =	sst s10  }
0x35: {  	s10 =	sld [smem:$0x3FBA];
	_ =	sdelay $0x3  }
0x36: {  	p1 =	seq.s32 s10, $0x1;
	s10 =	sld [smem:$0x3FBB];
	_ =	sdelay $0x3  }
0x37: {  	[smem:$0x3FBB] =	sst s10  }
0x38: {  	s10 =	sld [smem:$0x3FBC]  }
0x39: {  	_ = 	snop;
	(pc) =	sbr.ind lr, $3  }
0x3a: {  	_ = 	snop  }
0x3b: {  	_ = 	snop  }
0x3c: {  	p2 =	seq.s32 s10, $0x1;
	s10 =	sld [smem:$0x3FBB]  }
0x3d: {  	_ =	shalt  }
0x3e: {  	_ =	shalt  }
0x3f: {  	_ =	shalt  }
0x40: {  	_ =	shalt  }
0x41: {  	_ =	shalt  }
0x42: {  	_ =	shalt  }
0x43: {  	_ =	shalt  }
0x44: {  	_ =	shalt  }
0x45: {  	_ =	shalt  }
0x46: {  	_ =	shalt  }
0x47: {  	_ =	shalt  }
0x48: {  	_ =	shalt  }
0x49: {  	_ =	shalt  }
0x4a: {  	_ =	shalt  }
0x4b: {  	_ =	shalt  }
0x4c: {  	_ =	shalt  }
0x4d: {  	_ =	shalt  }
0x4e: {  	_ =	shalt  }
0x4f: {  	_ =	shalt  }
0x50: {  	_ =	shalt  }
0x51: {  	_ =	shalt  }
0x52: {  	_ =	shalt  }
0x53: {  	_ =	shalt  }
0x54: {  	_ =	shalt  }
0x55: {  	_ =	shalt  }
0x56: {  	_ =	shalt  }
0x57: {  	_ =	shalt  }
0x58: {  	_ =	shalt  }
0x59: {  	_ =	shalt  }
0x5a: {  	_ =	shalt  }
0x5b: {  	_ =	shalt  }
0x5c: {  	_ =	shalt  }
0x5d: {  	_ =	shalt  }
0x5e: {  	_ =	shalt  }
0x5f: {  	_ =	shalt  }
0x60: {  	_ =	shalt  }
0x61: {  	_ =	shalt  }
0x62: {  	_ =	shalt  }
0x63: {  	_ =	shalt  }
0x64: {  	_ =	shalt  }
0x65: {  	_ =	shalt  }
0x66: {  	_ =	shalt  }
0x67: {  	_ =	shalt  }
0x68: {  	_ =	shalt  }
0x69: {  	_ =	shalt  }
0x6a: {  	_ =	shalt  }
0x6b: {  	_ =	shalt  }
0x6c: {  	_ =	shalt  }
0x6d: {  	_ =	shalt  }
0x6e: {  	_ =	shalt  }
0x6f: {  	_ =	shalt  }
0x70: {  	_ =	shalt  }
0x71: {  	_ =	shalt  }
0x72: {  	_ =	shalt  }
0x73: {  	_ =	shalt  }
0x74: {  	_ =	shalt  }
0x75: {  	_ =	shalt  }
0x76: {  	_ =	shalt  }
0x77: {  	_ =	shalt  }
0x78: {  	_ =	shalt  }
0x79: {  	_ =	shalt  }
0x7a: {  	_ =	shalt  }
0x7b: {  	_ =	shalt  }
0x7c: {  	_ =	shalt  }
0x7d: {  	_ =	shalt  }
0x7e: {  	_ =	shalt  }
0x7f: {  	_ =	shalt  }
0x80: {  	_ =	shalt  }
0x81: {  	_ =	shalt  }
0x82: {  	_ =	shalt  }
0x83: {  	_ =	shalt  }
0x84: {  	_ =	shalt  }
0x85: {  	_ =	shalt  }
0x86: {  	_ =	shalt  }
0x87: {  	_ =	shalt  }
.Lfunc_end0:
.L_simem_size_0:
called_computation.1_lowered:
.L_overlay_start_0:
0x88: {  	s2 =	sld [smem:$0x3FD9]  }
0x89: {  	s3 =	sld [smem:$0x3FFE];
	_ =	sdelay $0x1  }
0x8a: {  	s1 =	srdreg.scid  }
0x8b: {  	s0 =	sand.u32 $0x1, s1  }
0x8c: {  	s16 =	sshll.u32 s0, $0xA;
	s2 =	sadd.s32 s3, s2  }
0x8d: {  	s2 =	sadd.s32 s2, s16  }
0x8e: {  	[smem:$0x3FC7] =	sst s2  }
0x8f: {  	_ = 	snop  }
0x90: {  	(tm) =	ssettm $0x1  }
0x91: {  	s17 =	sld [smem:$0x3FFB];
	_ =	sdelay $0x3  }
0x92: {  	_ =	strace s17  }
0x93: {  	s2 =	sld [smem:$0x3FFC];
	_ =	sdelay $0x3  }
0x94: {  	_ =	strace s2  }
0x95: {  	s2 =	sld [smem:$0x3FFD];
	_ =	sdelay $0x3  }
0x96: {  	_ =	strace s2  }
0x97: {  	_ =	strace $0x8FFFFFFF  }
0x98: {  	s18 =	sld [smem:$0x3FDB];
	_ =	sdelay $0x1  }
0x99: {  	s19 =	simm.s32 $_scs_section_size  }
0x9a: {  	s4 =	simm.s32 $_size__tile_overlayer_lowered;
	s5 =	simm.s32 $_tile_overlayer_lowered  }
0x9b: {  	s22 =	simm.s32 $0x1BFF;
	s21 =	sshll.u32 s5, $0x1;
	s2 =	sadd.s32 s19, s18  }
0x9c: {  	s6 =	simm.s32 $0x0;
	s20 =	sshll.u32 s4, $0x1;
	s4 =	sadd.s32 s21, s2  }
0x9d: {  	[timem:s6], [sflag:s22] =	dma.local [hbm:s4], s20  }
0x9e: {  	_ =	swait.ge [sflag:s22], s20  }
0x9f: {  	s3 =	ssub.s32 $0x0, s20;
	[sflag:s22] =	ssyncset.done $0x0  }
0xa0: {  	[sflag:s22] =	ssyncadd.s32 s3;
	_ =	sdelay $0x1  }
0xa1: {  	s23 =	simm.s32 $0x1B8B  }
0xa2: {  	_ =	swait.ge [sflag:s23], $0x1  }
0xa3: {  	[sflag:s23] =	ssyncset.done $0x0  }
0xa4: {  	s25 =	simm.s32 $0x1B8E;
	s24 =	sld [smem:$0x3FFE];
	[sflag:s23] =	ssyncadd.s32 $0xFFFFFFFF  }
0xa5: {  	s26 =	simm.s32 $execute0_lowered;
	[smem:$0x3FD2] =	sst s25  }
0xa6: {  	s4 =	sshll.u32 s26, $0x1;
	_ =	strace $0x80000049;
	[dreg:$0x1] =	wrdreg $0xFFFFFFFF  }
0xa7: {  	s28 =	simm.s32 $_size_execute0_lowered;
	s2 =	sadd.s32 s2, s4;
	[dreg:$0x0] =	wrdreg $0x0  }
0xa8: {  	s4 =	sshll.u32 s28, $0x1;
	[dreg:$0x2] =	wrdreg s2  }
0xa9: {  	[dreg:$0x3] =	wrdreg s4  }
0xaa: {  	[dreg:$0x4] =	wrdreg $0xC0  }
0xab: {  	_ =	task [dreg:s6], $0x5FFFF  }
0xac: {  	[dreg:$0x1] =	wrdreg $0xFFFFFFFF  }
0xad: {  	[dreg:$0x0] =	wrdreg $0x60  }
0xae: {  	[dreg:$0x2] =	wrdreg s24  }
0xaf: {  	[dreg:$0x3] =	wrdreg $0x9  }
0xb0: {  	_ =	task.clear_ibuf [dreg:s6], $0x4FFFF;
	_ =	strace $0x90000049  }
0xb1: {  	s29 =	simm.s32 $0x9;
	_ =	strace $0x8000004B  }
0xb2: {  	_ =	swait.ge [sflag:s29], $0x1  }
0xb3: {  	[sflag:s29] =	ssyncadd.s32 $0xFFFFFFFF  }
0xb4: {  	_ =	strace $0x9000004B  }
0xb5: {  	_ =	sfence  }
0xb6: {  	s30 =	sld [smem:$0x0];
	_ =	sdelay $0x2  }
0xb7: {  	s31 =	sshll.u32 s1, $0xD;
	s1 =	sshrl.u32 s1, $0x2  }
0xb8: {  	s3 =	sand.u32 $0x4000, s31;
	s1 =	sadd.s32 s1, s30  }
0xb9: {  	s0 =	sor.u32 s3, s0;
	s1 =	sshll.u32 s1, $0x11  }
0xba: {  	s0 =	sor.u32 s1, s0  }
0xbb: {  	s0 =	sadd.s32 $0x8F2B, s0  }
0xbc: {  	[sflag:s0] =	ssyncadd.remote.s32 $0x1  }
0xbd: {  	_ =	sfence.sel $0xFFFF  }
0xbe: {  	[dreg:$0x0] =	wrdreg $0xFFFFFFFF;
	(pc) =	sbr.abs _section_cstart, $3  }
0xbf: {  	[dreg:$0x1] =	wrdreg $0xFFFFFFFF  }
0xc0: {  	_ =	task.clear_ibuf [dreg:s6], $0x2FFFF;
	_ =	strace $0x9FFFFFFF  }
0xc1: {  	(tm) =	ssettm $0x7FFFFFFF  }
tec
execute0_lowered:
.L_overlay_start_1:
0x0: {  	(tag) =	ssettag $0x1  }
0x1: {  	v0 =	vimm.s32 $0xFEDCBA98;
	v1 =	vimm.s32 $0x76543210  }
0x2: {  	s4 =	rddreg [dreg:$0x0];
	v2 =	vimm.s32 $0xBA98FEDC;
	v3 =	vimm.s32 $0x32107654;
	v4 =	vimm.s32 $0xDCFE98BA  }
0x3: {  	s0 =	rddreg [dreg:$0x1];
	v5 =	vimm.s32 $0x54761032;
	v6 =	vimm.s32 $0xEFCDAB89;
	v7 =	vimm.s32 $0x67452301  }
0x4: {  	s2 =	simm.s32 $0x0;
	s3 =	srdreg.scid;
	s1 =	stileid.u32;
	v0 =	vunpack.c.l.s4.s8 v0;
	v1 =	vunpack.c.l.s4.s8 v1;
	v2 =	vunpack.c.l.s4.s8 v2  }
0x5: {  	s9 =	simm.s32 $0x1;
	s10 =	simm.s32 $0x2;
	s11 =	simm.s32 $0x4200;
	v3 =	vunpack.c.l.s4.s8 v3;
	v4 =	vunpack.c.l.s4.s8 v4;
	v5 =	vunpack.c.l.s4.s8 v5  }
0x6: {  	s12 =	simm.s32 $0x3;
	s3 =	sand.u32 $0x1, s3;
	s5 =	sshll.u32 s1, $0x1;
	v6 =	vunpack.c.l.s4.s8 v6;
	v7 =	vunpack.c.l.s4.s8 v7;
	v0 =	vunpack.c.0.s8.s32 v0  }
0x7: {  	s13 =	simm.s32 $0x0;
	[smem:$0x7FF] =	sst s2;
	s5 =	sor.u32 s3, s5;
	v1 =	vunpack.c.0.s8.s32 v1;
	v2 =	vunpack.c.0.s8.s32 v2;
	v3 =	vunpack.c.0.s8.s32 v3  }
0x8: {  	_ =	strace $0x8000004A;
	s6 =	ssub.s32 $0x2, s3;
	s7 =	sshll.u32 s5, $0x6;
	v4 =	vunpack.c.0.s8.s32 v4;
	v5 =	vunpack.c.0.s8.s32 v5;
	v0 =	vand.u32 $0xF, v0  }
0x9: {  	s3 =	sadd.s32 $0xE00, s4;
	s8 =	sshrl.u32 s6, $0x1;
	v6 =	vunpack.c.0.s8.s32 v6;
	v7 =	vunpack.c.0.s8.s32 v7;
	s7 =	sadd.s32 s7, s4;
	v0 =	vcombine.low v0, v1  }
0xa: {  	s6 =	ssub.s32 s6, s8;
	s4 =	sshll.u32 s5, $0xF;
	s8 =	simm.s32 $0x2000;
	v1 =	vcombine.low v3, v2;
	v2 =	vcombine.low v5, v4  }
0xb: {  	s5 =	sadd.s32 $0x100E00, s7;
	s6 =	smax.u32 s6, $0x1;
	s7 =	simm.s32 $0x400;
	v3 =	vcombine.low v7, v6;
	v4 =	vlaneseq.u32;
	v5 =	vimm.f32 $-3.000000000e+00  }
.LBB2_1:
0xc: {  	s14 =	simm.s32 $0x0  }
.LBB2_2:
0xd: {  	s16 =	sshll.u32 s14, $0xB;
	s15 =	sshll.u32 s14, $0x5  }
0xe: {  	s16 =	sand.u32 $0x6000, s16;
	s17 =	sand.u32 $0x60, s15  }
0xf: {  	s16 =	sor.u32 s4, s16;
	s17 =	sadd.s32 s3, s17  }
0x10: {  	s18 =	sadd.s32 s16, s17;
	s17 =	simm.s32 $0x80;
	s16 =	simm.s32 $0x0  }
0x11: {  	[tilespmem:s16], [sflag:$0x1] =	stream.strided.gather [hbm4b:s18+s17], $0x2000, s7, s17, $0x38;
	[tilespmem:$0x4400] =	vst v63  }
0x12: {  	s18 =	sadd.s32 $0x10, s18  }
0x13: {  	[tilespmem:s8], [sflag:$0x2] =	stream.strided.gather [hbm4b:s18+s17], $0x2000, s7, s17, $0x38;
	[tilespmem:$0x4400] =	vst v63  }
0x14: {  	_ =	swait.ge [sflag:s9], $0x2000  }
0x15: {  	[sflag:s9] =	ssyncset.done $0x0  }
0x16: {  	[sflag:s9] =	ssyncadd.s32 $0xFFFFE000  }
0x17: {  	s19 =	simm.s32 $0x40;
	s18 =	simm.s32 $0x0;
	v6 =	vld [tilespmem:s17+$0xFFFFFF80]  }
.LBB2_3:
0x18: {  	p0 =	sne.s32 s19, $0x7C0;
	v7 =	vld [tilespmem:s17+$0xFFFFFF90]  }
0x19: {  	v8 =	vld [tilespmem:s17+$0xFFFFFFA0]  }
0x1a: {  	v9 =	vld [tilespmem:s17+$0xFFFFFFB0]  }
0x1b: {  	v10 =	vld [tilespmem:s17+$0xFFFFFFC0]  }
0x1c: {  	v6 =	vmax.f32 v6, $-1.000000000e+00;
	v11 =	vld [tilespmem:s17+$0xFFFFFFD0]  }
0x1d: {  	v6 =	vmax.f32 v6, v7;
	v7 =	vld [tilespmem:s17+$0xFFFFFFE0]  }
0x1e: {  	v6 =	vmax.f32 v6, v8;
	v8 =	vld [tilespmem:s17+$0xFFFFFFF0]  }
0x1f: {  	v6 =	vmax.f32 v6, v9;
	v9 =	vld [tilespmem:s17+$0x0]  }
0x20: {  	v6 =	vmax.f32 v6, v10;
	v10 =	vld [tilespmem:s17+$0x10]  }
0x21: {  	v6 =	vmax.f32 v6, v11;
	v11 =	vld [tilespmem:s17+$0x20]  }
0x22: {  	v6 =	vmax.f32 v6, v7;
	v7 =	vld [tilespmem:s17+$0x30]  }
0x23: {  	v6 =	vmax.f32 v6, v8;
	v8 =	vld [tilespmem:s17+$0x40]  }
0x24: {  	v6 =	vmax.f32 v6, v9;
	v9 =	vld [tilespmem:s17+$0x50]  }
0x25: {  	v6 =	vmax.f32 v6, v10;
	v10 =	vld [tilespmem:s17+$0x60]  }
0x26: {  	v6 =	vmax.f32 v6, v11;
	v11 =	vld [tilespmem:s17+$0x70]  }
0x27: {  	v6 =	vmax.f32 v6, v7  }
0x28: {  	v6 =	vmax.f32 v6, v8  }
.Ltmp0:
0x29: {  	v6 =	vmax.f32 v6, v9;
	(pc) =	sbr.rel @p0 .LBB2_3-.Ltmp0, $4  }
0x2a: {  	v6 =	vmax.f32 v6, v10  }
0x2b: {  	s20 =	sshra.s32 s18, $0x2;
	s18 =	smov.u32 s19;
	v6 =	vmax.f32 v6, v11  }
0x2c: {  	s17 =	sadd.s32 $0x100, s17;
	[tilespmem:s20+$0x4000] =	vst v6  }
0x2d: {  	s19 =	sadd.s32 $0x40, s19;
	v6 =	vld [tilespmem:s17+$0xFFFFFF80]  }
0x2e: {  	v7 =	vld [tilespmem:s17+$0xFFFFFF90]  }
0x2f: {  	v8 =	vld [tilespmem:s17+$0xFFFFFFA0]  }
0x30: {  	v9 =	vld [tilespmem:s17+$0xFFFFFFB0]  }
0x31: {  	v10 =	vld [tilespmem:s17+$0xFFFFFFC0]  }
0x32: {  	v11 =	vld [tilespmem:s17+$0xFFFFFFD0];
	v6 =	vmax.f32 v6, $-1.000000000e+00  }
0x33: {  	v6 =	vmax.f32 v6, v7;
	v7 =	vld [tilespmem:s17+$0xFFFFFFE0]  }
0x34: {  	v6 =	vmax.f32 v6, v8;
	v8 =	vld [tilespmem:s17+$0xFFFFFFF0]  }
0x35: {  	v58 =	vld [tilespmem:s17+$0x0];
	v6 =	vmax.f32 v6, v9  }
0x36: {  	v59 =	vld [tilespmem:s17+$0x10];
	v6 =	vmax.f32 v6, v10  }
0x37: {  	v60 =	vld [tilespmem:s17+$0x20];
	v6 =	vmax.f32 v6, v11  }
0x38: {  	v6 =	vmax.f32 v6, v7;
	v7 =	vld [tilespmem:s17+$0x30]  }
0x39: {  	v6 =	vmax.f32 v6, v8;
	v8 =	vld [tilespmem:s17+$0x40]  }
0x3a: {  	v61 =	vld [tilespmem:s17+$0x50];
	v6 =	vmax.f32 v6, v58  }
0x3b: {  	v62 =	vld [tilespmem:s17+$0x60];
	v6 =	vmax.f32 v6, v59  }
0x3c: {  	v63 =	vld [tilespmem:s17+$0x70];
	v6 =	vmax.f32 v6, v60  }
0x3d: {  	v6 =	vmax.f32 v6, v7  }
0x3e: {  	v6 =	vmax.f32 v6, v8  }
0x3f: {  	v6 =	vmax.f32 v6, v61  }
0x40: {  	v6 =	vmax.f32 v6, v62  }
0x41: {  	s31 =	sshra.s32 s18, $0x2;
	v6 =	vmax.f32 v6, v63  }
0x42: {  	[tilespmem:s31+$0x4000] =	vst v6;
	v6 =	vimm.s32 $0x0  }
.LBB2_5:
0x43: {  	v7 =	vld [tilespmem:$0x4000]  }
0x44: {  	v8 =	vld [tilespmem:$0x4010]  }
0x45: {  	v9 =	vld [tilespmem:$0x4020]  }
0x46: {  	v10 =	vld [tilespmem:$0x4030]  }
0x47: {  	v11 =	vld [tilespmem:$0x4040]  }
0x48: {  	v12 =	vld [tilespmem:$0x4050];
	v7 =	vmax.f32 v7, $-2.000000000e+00  }
0x49: {  	v7 =	vmax.f32 v7, v8;
	v8 =	vld [tilespmem:$0x4060]  }
0x4a: {  	v7 =	vmax.f32 v7, v9;
	v9 =	vld [tilespmem:$0x4070]  }
0x4b: {  	v7 =	vmax.f32 v7, v10;
	v10 =	vld [tilespmem:$0x4080]  }
0x4c: {  	v7 =	vmax.f32 v7, v11;
	v11 =	vld [tilespmem:$0x4090]  }
0x4d: {  	v59 =	vld [tilespmem:$0x40A0];
	v7 =	vmax.f32 v7, v12  }
0x4e: {  	v7 =	vmax.f32 v7, v8;
	v8 =	vld [tilespmem:$0x40B0]  }
0x4f: {  	v7 =	vmax.f32 v7, v9;
	v9 =	vld [tilespmem:$0x40C0]  }
0x50: {  	v7 =	vmax.f32 v7, v10;
	v10 =	vld [tilespmem:$0x40D0]  }
0x51: {  	v7 =	vmax.f32 v7, v11;
	v11 =	vld [tilespmem:$0x40E0]  }
0x52: {  	v60 =	vld [tilespmem:$0x40F0];
	v7 =	vmax.f32 v7, v59  }
0x53: {  	v7 =	vmax.f32 v7, v8;
	v8 =	vld [tilespmem:$0x4100]  }
0x54: {  	v7 =	vmax.f32 v7, v9;
	v9 =	vld [tilespmem:$0x4110]  }
0x55: {  	v7 =	vmax.f32 v7, v10;
	v10 =	vld [tilespmem:$0x4120]  }
0x56: {  	v7 =	vmax.f32 v7, v11;
	v11 =	vld [tilespmem:$0x4130]  }
0x57: {  	v61 =	vld [tilespmem:$0x4140];
	v7 =	vmax.f32 v7, v60  }
0x58: {  	v7 =	vmax.f32 v7, v8;
	v8 =	vld [tilespmem:$0x4150]  }
0x59: {  	v7 =	vmax.f32 v7, v9;
	v9 =	vld [tilespmem:$0x4160]  }
0x5a: {  	v7 =	vmax.f32 v7, v10;
	v10 =	vld [tilespmem:$0x4170]  }
0x5b: {  	v7 =	vmax.f32 v7, v11;
	v11 =	vld [tilespmem:$0x4180]  }
0x5c: {  	v62 =	vld [tilespmem:$0x4190];
	v7 =	vmax.f32 v7, v61  }
0x5d: {  	v7 =	vmax.f32 v7, v8;
	v8 =	vld [tilespmem:$0x41A0]  }
0x5e: {  	v7 =	vmax.f32 v7, v9;
	v9 =	vld [tilespmem:$0x41B0]  }
0x5f: {  	v7 =	vmax.f32 v7, v10;
	v10 =	vld [tilespmem:$0x41C0]  }
0x60: {  	v7 =	vmax.f32 v7, v11;
	v11 =	vld [tilespmem:$0x41D0]  }
0x61: {  	v63 =	vld [tilespmem:$0x41E0];
	v7 =	vmax.f32 v7, v62  }
0x62: {  	v7 =	vmax.f32 v7, v8;
	v8 =	vld [tilespmem:$0x41F0]  }
0x63: {  	v7 =	vmax.f32 v7, v9  }
0x64: {  	v7 =	vmax.f32 v7, v10  }
0x65: {  	v7 =	vmax.f32 v7, v11  }
0x66: {  	v7 =	vmax.f32 v7, v63  }
0x67: {  	v7 =	vmax.f32 v7, v8  }
0x68: {  	v8 =	vperm.xlane v7, v0;
	_ =	sdelay $0x1  }
0x69: {  	v7 =	vmax.f32 v7, v8  }
0x6a: {  	v8 =	vperm.xlane v7, v1;
	_ =	sdelay $0x1  }
0x6b: {  	v7 =	vmax.f32 v7, v8  }
0x6c: {  	s17 =	simm.s32 $0x4000;
	v8 =	vperm.xlane v7, v2  }
0x6d: {  	v9 =	vld [tilespmem:s17+$0x0]  }
0x6e: {  	v7 =	vmax.f32 v7, v8  }
0x6f: {  	v8 =	vperm.xlane v7, v3;
	_ =	sdelay $0x1  }
0x70: {  	s18 =	simm.s32 $0x0;
	v7 =	vmax.f32 v7, v8  }
0x71: {  	s17 =	simm.s32 $0x1;
	v8 =	vimm.s32 $0x4000;
	vm0 =	veq.f32 v9, v7;
	v9 =	vmov s18;
	s18 =	simm.s32 $0x4010  }
.LBB2_6:
0x72: {  	v10 =	vld [tilespmem:s18+$0x0];
	p0 =	sne.s32 s17, $0x1F;
	v9 =	vnsel vm0, $0x4000, v9;
	s19 =	smov.u32 s17;
	s17 =	sadd.s32 $0x1, s17  }
.Ltmp1:
0x73: {  	vm0 =	vlt.s32 v8, v9;
	(pc) =	sbr.rel @p0 .LBB2_6-.Ltmp1, $2  }
0x74: {  	v8 =	vsel vm0, v8, v9;
	_ =	sdelay $0x2  }
0x75: {  	s18 =	sadd.s32 $0x10, s18;
	v9 =	vmov s19;
	vm0 =	veq.f32 v10, v7  }
0x76: {  	v9 =	vnsel vm0, $0x4000, v9  }
0x77: {  	vm0 =	vlt.s32 v8, v9  }
0x78: {  	v8 =	vsel vm0, v8, v9  }
0x79: {  	v9 =	vperm.xlane v8, v0;
	_ =	sdelay $0x1  }
0x7a: {  	vm0 =	vlt.s32 v8, v9  }
0x7b: {  	v8 =	vsel vm0, v8, v9  }
0x7c: {  	v9 =	vperm.xlane v8, v1;
	_ =	sdelay $0x1  }
0x7d: {  	vm0 =	vlt.s32 v8, v9  }
0x7e: {  	v8 =	vsel vm0, v8, v9  }
0x7f: {  	v9 =	vperm.xlane v8, v2;
	_ =	sdelay $0x1  }
0x80: {  	vm0 =	vlt.s32 v8, v9  }
0x81: {  	v8 =	vsel vm0, v8, v9  }
0x82: {  	v9 =	vperm.xlane v8, v3;
	_ =	sdelay $0x1  }
0x83: {  	vm0 =	vlt.s32 v8, v9  }
0x84: {  	v8 =	vsel vm0, v8, v9  }
0x85: {  	(v2sf) =	vpush v8, $0x0;
	_ =	sdelay $0xe  }
0x86: {  	s17 =	spop (v2sf)  }
0x87: {  	s18 =	sshll.u32 s17, $0x8  }
0x88: {  	s20 =	simm.s32 $0x0;
	s19 =	sadd.s32 $0x0, s18  }
0x89: {  	s20 =	sand.u32 $0x70, s20;
	s21 =	sand.u32 $0xFFFFFF80, s19  }
0x8a: {  	s21 =	sor.u32 s20, s21  }
0x8b: {  	v9 =	vld [tilespmem:s21+$0x0]  }
0x8c: {  	v8 =	vimm.s32 $0x4000;
	s20 =	simm.s32 $0x10  }
.LBB2_8:
0x8d: {  	s21 =	sadd.s32 s20, s18  }
0x8e: {  	p0 =	sne.s32 s20, $0xF0;
	s22 =	smov.u32 s20;
	s20 =	sadd.s32 $0x10, s20  }
.Ltmp2:
0x8f: {  	s23 =	sand.u32 $0xFFFFFF80, s21;
	s22 =	sand.u32 $0x70, s22;
	(pc) =	sbr.rel @p0 .LBB2_8-.Ltmp2, $4  }
0x90: {  	v10 =	vor.u32 s19, v4;
	s19 =	smov.u32 s21;
	s22 =	sor.u32 s22, s23;
	vm0 =	veq.f32 v9, v7  }
0x91: {  	v9 =	vld [tilespmem:s22+$0x0];
	v10 =	vnsel vm0, $0x4000, v10  }
0x92: {  	vm0 =	vlt.s32 v8, v10  }
0x93: {  	v8 =	vsel vm0, v8, v10  }
0x94: {  	_ =	sdelay $0x1  }
0x95: {  	v10 =	vor.u32 s19, v4;
	vm0 =	veq.f32 v9, v7  }
0x96: {  	v7 =	vnsel vm0, $0x4000, v10  }
0x97: {  	vm0 =	vlt.s32 v8, v7  }
0x98: {  	v7 =	vsel vm0, v8, v7  }
0x99: {  	v8 =	vperm.xlane v7, v0;
	_ =	sdelay $0x1  }
0x9a: {  	vm0 =	vlt.s32 v7, v8  }
0x9b: {  	v7 =	vsel vm0, v7, v8  }
0x9c: {  	v8 =	vperm.xlane v7, v1;
	_ =	sdelay $0x1  }
0x9d: {  	vm0 =	vlt.s32 v7, v8  }
0x9e: {  	v7 =	vsel vm0, v7, v8  }
0x9f: {  	v8 =	vperm.xlane v7, v2;
	_ =	sdelay $0x1  }
0xa0: {  	vm0 =	vlt.s32 v7, v8  }
0xa1: {  	v7 =	vsel vm0, v7, v8  }
0xa2: {  	v8 =	vperm.xlane v7, v3;
	_ =	sdelay $0x1  }
0xa3: {  	vm0 =	vlt.s32 v7, v8  }
0xa4: {  	v7 =	vsel vm0, v7, v8  }
0xa5: {  	(v2sf) =	vpush v7, $0x0;
	_ =	sdelay $0xd  }
0xa6: {  	v7 =	vbroadcast v7, $0x0  }
0xa7: {  	s18 =	spop (v2sf)  }
0xa8: {  	s30 =	sadd.s32 $0x2000, s18;
	s20 =	sadd.s32 $0x1, s18  }
0xa9: {  	s22 =	sshra.s32 s20, $0x1F;
	s23 =	sshra.s32 s30, $0x1F  }
0xaa: {  	s24 =	sxor.u32 s22, s20;
	s25 =	sxor.u32 s23, s30  }
0xab: {  	s21 =	sshll.u32 s17, $0xA;
	s24 =	ssub.s32 s24, s22;
	s25 =	ssub.s32 s25, s23  }
0xac: {  	s21 =	sshra.s32 s21, $0x2;
	[tilespmem:v7+s2+$0x0] =	vst.idx.msk $0x1, v5;
	(drf) =	sdiv.u32 s25, s24  }
0xad: {  	v7 =	vld [tilespmem:s21+$0x0]  }
0xae: {  	v8 =	vld [tilespmem:s21+$0x10]  }
0xaf: {  	v54 =	vld [tilespmem:s21+$0x20]  }
0xb0: {  	v55 =	vld [tilespmem:s21+$0x30]  }
0xb1: {  	v11 =	vld [tilespmem:s21+$0x40]  }
0xb2: {  	v12 =	vld [tilespmem:s21+$0x50];
	v7 =	vmax.f32 v7, $-1.000000000e+00  }
0xb3: {  	v7 =	vmax.f32 v7, v8;
	v8 =	vld [tilespmem:s21+$0x60]  }
0xb4: {  	v56 =	vld [tilespmem:s21+$0x70];
	v7 =	vmax.f32 v7, v54  }
0xb5: {  	v57 =	vld [tilespmem:s21+$0x80];
	v7 =	vmax.f32 v7, v55;
	s23 =	sxor.u32 s22, s23;
	s24 =	spop (drf)  }
0xb6: {  	v58 =	vld [tilespmem:s21+$0x90];
	v7 =	vmax.f32 v7, v11;
	s24 =	sxor.u32 s23, s24  }
0xb7: {  	v59 =	vld [tilespmem:s21+$0xA0];
	v7 =	vmax.f32 v7, v12;
	p0 =	sgt.s32 s30, $0x0;
	s23 =	ssub.s32 s24, s23;
	s24 =	simm.s32 $0x1  }
0xb8: {  	v7 =	vmax.f32 v7, v8;
	v8 =	vld [tilespmem:s21+$0xB0];
	s24 =	simm.s32 @!p0 $0x0;
	p0 =	slt.u32 s18, $0x7FFFFFFF;
	s18 =	simm.s32 $0x1  }
0xb9: {  	p1 =	slt.s32 s30, $0x0;
	v7 =	vmax.f32 v7, v56;
	s20 =	smul.u32 s20, s23;
	s18 =	simm.s32 @!p0 $0x0  }
0xba: {  	v60 =	vld [tilespmem:s21+$0xC0];
	v7 =	vmax.f32 v7, v57;
	s24 =	simm.s32 @p1 $0xFFFFFFFF;
	s18 =	sadd.s32 s18, s22  }
0xbb: {  	v61 =	vld [tilespmem:s21+$0xD0];
	v7 =	vmax.f32 v7, v58;
	p6 =	sne.s32 s30, s20;
	p5 =	sne.s32 s24, s18  }
0xbc: {  	v62 =	vld [tilespmem:s21+$0xE0];
	v7 =	vmax.f32 v7, v59;
	p0 =	por !p6, !p5  }
0xbd: {  	v63 =	vld [tilespmem:s21+$0xF0];
	v7 =	vmax.f32 v7, v8;
	v8 =	vmov s16;
	s16 =	sadd.s32 $0x1, s16;
	s18 =	simm.s32 $0x1;
	p0 =	por !p0, !p0  }
0xbe: {  	s18 =	simm.s32 @!p0 $0x0;
	p0 =	sne.s32 s16, $0x8  }
.Ltmp3:
0xbf: {  	v7 =	vmax.f32 v7, v60;
	(pc) =	sbr.rel @p0 .LBB2_5-.Ltmp3, $4  }
0xc0: {  	v7 =	vmax.f32 v7, v61  }
0xc1: {  	s31 =	sshll.u32 s17, $0x6;
	v7 =	vmax.f32 v7, v62  }
0xc2: {  	s17 =	sshra.s32 s31, $0x2;
	vm15 =	veq.s32 v8, v4;
	v7 =	vmax.f32 v7, v63;
	s18 =	ssub.s32 s23, s18  }
0xc3: {  	[tilespmem:s17+$0x4000] =	vst v7;
	v6 =	vsel vm15, s18, v6  }
0xc4: {  	s15 =	sand.u32 $0x3FFFFFE0, s15  }
0xc5: {  	[tilespmem:s15+$0x4200] =	vst v6  }
0xc6: {  	_ =	swait.ge [sflag:s10], $0x2000  }
0xc7: {  	[sflag:s10] =	ssyncset.done $0x0  }
0xc8: {  	s18 =	simm.s32 $0x2080;
	[sflag:s10] =	ssyncadd.s32 $0xFFFFE000  }
0xc9: {  	s16 =	simm.s32 $0x0;
	s19 =	simm.s32 $0x40;
	s17 =	simm.s32 $0x0;
	v6 =	vld [tilespmem:s18+$0xFFFFFF80]  }
.LBB2_11:
0xca: {  	p0 =	sne.s32 s19, $0x7C0;
	v7 =	vld [tilespmem:s18+$0xFFFFFF90]  }
0xcb: {  	v8 =	vld [tilespmem:s18+$0xFFFFFFA0]  }
0xcc: {  	v9 =	vld [tilespmem:s18+$0xFFFFFFB0]  }
0xcd: {  	v10 =	vld [tilespmem:s18+$0xFFFFFFC0]  }
0xce: {  	v6 =	vmax.f32 v6, $-1.000000000e+00;
	v11 =	vld [tilespmem:s18+$0xFFFFFFD0]  }
0xcf: {  	v6 =	vmax.f32 v6, v7;
	v7 =	vld [tilespmem:s18+$0xFFFFFFE0]  }
0xd0: {  	v6 =	vmax.f32 v6, v8;
	v8 =	vld [tilespmem:s18+$0xFFFFFFF0]  }
0xd1: {  	v6 =	vmax.f32 v6, v9;
	v9 =	vld [tilespmem:s18+$0x0]  }
0xd2: {  	v6 =	vmax.f32 v6, v10;
	v10 =	vld [tilespmem:s18+$0x10]  }
0xd3: {  	v6 =	vmax.f32 v6, v11;
	v11 =	vld [tilespmem:s18+$0x20]  }
0xd4: {  	v6 =	vmax.f32 v6, v7;
	v7 =	vld [tilespmem:s18+$0x30]  }
0xd5: {  	v6 =	vmax.f32 v6, v8;
	v8 =	vld [tilespmem:s18+$0x40]  }
0xd6: {  	v6 =	vmax.f32 v6, v9;
	v9 =	vld [tilespmem:s18+$0x50]  }
0xd7: {  	v6 =	vmax.f32 v6, v10;
	v10 =	vld [tilespmem:s18+$0x60]  }
0xd8: {  	v6 =	vmax.f32 v6, v11;
	v11 =	vld [tilespmem:s18+$0x70]  }
0xd9: {  	v6 =	vmax.f32 v6, v7  }
0xda: {  	v6 =	vmax.f32 v6, v8  }
.Ltmp4:
0xdb: {  	v6 =	vmax.f32 v6, v9;
	(pc) =	sbr.rel @p0 .LBB2_11-.Ltmp4, $4  }
0xdc: {  	v6 =	vmax.f32 v6, v10  }
0xdd: {  	s20 =	sshra.s32 s17, $0x2;
	s17 =	smov.u32 s19;
	v6 =	vmax.f32 v6, v11  }
0xde: {  	s18 =	sadd.s32 $0x100, s18;
	[tilespmem:s20+$0x4000] =	vst v6  }
0xdf: {  	s19 =	sadd.s32 $0x40, s19;
	v6 =	vld [tilespmem:s18+$0xFFFFFF80]  }
0xe0: {  	v7 =	vld [tilespmem:s18+$0xFFFFFF90]  }
0xe1: {  	v8 =	vld [tilespmem:s18+$0xFFFFFFA0]  }
0xe2: {  	v9 =	vld [tilespmem:s18+$0xFFFFFFB0]  }
0xe3: {  	v10 =	vld [tilespmem:s18+$0xFFFFFFC0]  }
0xe4: {  	v11 =	vld [tilespmem:s18+$0xFFFFFFD0];
	v6 =	vmax.f32 v6, $-1.000000000e+00  }
0xe5: {  	v6 =	vmax.f32 v6, v7;
	v7 =	vld [tilespmem:s18+$0xFFFFFFE0]  }
0xe6: {  	v6 =	vmax.f32 v6, v8;
	v8 =	vld [tilespmem:s18+$0xFFFFFFF0]  }
0xe7: {  	v58 =	vld [tilespmem:s18+$0x0];
	v6 =	vmax.f32 v6, v9  }
0xe8: {  	v59 =	vld [tilespmem:s18+$0x10];
	v6 =	vmax.f32 v6, v10  }
0xe9: {  	v60 =	vld [tilespmem:s18+$0x20];
	v6 =	vmax.f32 v6, v11  }
0xea: {  	v6 =	vmax.f32 v6, v7;
	v7 =	vld [tilespmem:s18+$0x30]  }
0xeb: {  	v6 =	vmax.f32 v6, v8;
	v8 =	vld [tilespmem:s18+$0x40]  }
0xec: {  	v61 =	vld [tilespmem:s18+$0x50];
	v6 =	vmax.f32 v6, v58  }
0xed: {  	v62 =	vld [tilespmem:s18+$0x60];
	v6 =	vmax.f32 v6, v59  }
0xee: {  	v63 =	vld [tilespmem:s18+$0x70];
	v6 =	vmax.f32 v6, v60  }
0xef: {  	v6 =	vmax.f32 v6, v7  }
0xf0: {  	v6 =	vmax.f32 v6, v8  }
0xf1: {  	v6 =	vmax.f32 v6, v61  }
0xf2: {  	v6 =	vmax.f32 v6, v62  }
0xf3: {  	s17 =	sshra.s32 s17, $0x2;
	v6 =	vmax.f32 v6, v63  }
0xf4: {  	[tilespmem:s17+$0x4000] =	vst v6;
	v6 =	vimm.s32 $0x0  }
.LBB2_13:
0xf5: {  	v7 =	vld [tilespmem:$0x4000]  }
0xf6: {  	v8 =	vld [tilespmem:$0x4010]  }
0xf7: {  	v9 =	vld [tilespmem:$0x4020]  }
0xf8: {  	v10 =	vld [tilespmem:$0x4030]  }
0xf9: {  	v11 =	vld [tilespmem:$0x4040]  }
0xfa: {  	v12 =	vld [tilespmem:$0x4050];
	v7 =	vmax.f32 v7, $-2.000000000e+00  }
0xfb: {  	v7 =	vmax.f32 v7, v8;
	v8 =	vld [tilespmem:$0x4060]  }
0xfc: {  	v7 =	vmax.f32 v7, v9;
	v9 =	vld [tilespmem:$0x4070]  }
0xfd: {  	v7 =	vmax.f32 v7, v10;
	v10 =	vld [tilespmem:$0x4080]  }
0xfe: {  	v7 =	vmax.f32 v7, v11;
	v11 =	vld [tilespmem:$0x4090]  }
0xff: {  	v59 =	vld [tilespmem:$0x40A0];
	v7 =	vmax.f32 v7, v12  }
0x100: {  	v7 =	vmax.f32 v7, v8;
	v8 =	vld [tilespmem:$0x40B0]  }
0x101: {  	v7 =	vmax.f32 v7, v9;
	v9 =	vld [tilespmem:$0x40C0]  }
0x102: {  	v7 =	vmax.f32 v7, v10;
	v10 =	vld [tilespmem:$0x40D0]  }
0x103: {  	v7 =	vmax.f32 v7, v11;
	v11 =	vld [tilespmem:$0x40E0]  }
0x104: {  	v60 =	vld [tilespmem:$0x40F0];
	v7 =	vmax.f32 v7, v59  }
0x105: {  	v7 =	vmax.f32 v7, v8;
	v8 =	vld [tilespmem:$0x4100]  }
0x106: {  	v7 =	vmax.f32 v7, v9;
	v9 =	vld [tilespmem:$0x4110]  }
0x107: {  	v7 =	vmax.f32 v7, v10;
	v10 =	vld [tilespmem:$0x4120]  }
0x108: {  	v7 =	vmax.f32 v7, v11;
	v11 =	vld [tilespmem:$0x4130]  }
0x109: {  	v61 =	vld [tilespmem:$0x4140];
	v7 =	vmax.f32 v7, v60  }
0x10a: {  	v7 =	vmax.f32 v7, v8;
	v8 =	vld [tilespmem:$0x4150]  }
0x10b: {  	v7 =	vmax.f32 v7, v9;
	v9 =	vld [tilespmem:$0x4160]  }
0x10c: {  	v7 =	vmax.f32 v7, v10;
	v10 =	vld [tilespmem:$0x4170]  }
0x10d: {  	v7 =	vmax.f32 v7, v11;
	v11 =	vld [tilespmem:$0x4180]  }
0x10e: {  	v62 =	vld [tilespmem:$0x4190];
	v7 =	vmax.f32 v7, v61  }
0x10f: {  	v7 =	vmax.f32 v7, v8;
	v8 =	vld [tilespmem:$0x41A0]  }
0x110: {  	v7 =	vmax.f32 v7, v9;
	v9 =	vld [tilespmem:$0x41B0]  }
0x111: {  	v7 =	vmax.f32 v7, v10;
	v10 =	vld [tilespmem:$0x41C0]  }
0x112: {  	v7 =	vmax.f32 v7, v11;
	v11 =	vld [tilespmem:$0x41D0]  }
0x113: {  	v63 =	vld [tilespmem:$0x41E0];
	v7 =	vmax.f32 v7, v62  }
0x114: {  	v7 =	vmax.f32 v7, v8;
	v8 =	vld [tilespmem:$0x41F0]  }
0x115: {  	v7 =	vmax.f32 v7, v9  }
0x116: {  	v7 =	vmax.f32 v7, v10  }
0x117: {  	v7 =	vmax.f32 v7, v11  }
0x118: {  	v7 =	vmax.f32 v7, v63  }
0x119: {  	v7 =	vmax.f32 v7, v8  }
0x11a: {  	v8 =	vperm.xlane v7, v0;
	_ =	sdelay $0x1  }
0x11b: {  	v7 =	vmax.f32 v7, v8  }
0x11c: {  	v8 =	vperm.xlane v7, v1;
	_ =	sdelay $0x1  }
0x11d: {  	v7 =	vmax.f32 v7, v8  }
0x11e: {  	s17 =	simm.s32 $0x4000;
	v8 =	vperm.xlane v7, v2  }
0x11f: {  	v9 =	vld [tilespmem:s17+$0x0]  }
0x120: {  	v7 =	vmax.f32 v7, v8  }
0x121: {  	v8 =	vperm.xlane v7, v3;
	_ =	sdelay $0x1  }
0x122: {  	s18 =	simm.s32 $0x0;
	v7 =	vmax.f32 v7, v8  }
0x123: {  	s17 =	simm.s32 $0x1;
	v8 =	vimm.s32 $0x4000;
	vm0 =	veq.f32 v9, v7;
	v9 =	vmov s18;
	s18 =	simm.s32 $0x4010  }
.LBB2_14:
0x124: {  	v10 =	vld [tilespmem:s18+$0x0];
	p0 =	sne.s32 s17, $0x1F;
	v9 =	vnsel vm0, $0x4000, v9;
	s19 =	smov.u32 s17;
	s17 =	sadd.s32 $0x1, s17  }
.Ltmp5:
0x125: {  	vm0 =	vlt.s32 v8, v9;
	(pc) =	sbr.rel @p0 .LBB2_14-.Ltmp5, $2  }
0x126: {  	v8 =	vsel vm0, v8, v9;
	_ =	sdelay $0x2  }
0x127: {  	s18 =	sadd.s32 $0x10, s18;
	v9 =	vmov s19;
	vm0 =	veq.f32 v10, v7  }
0x128: {  	v9 =	vnsel vm0, $0x4000, v9  }
0x129: {  	vm0 =	vlt.s32 v8, v9  }
0x12a: {  	v8 =	vsel vm0, v8, v9  }
0x12b: {  	v9 =	vperm.xlane v8, v0;
	_ =	sdelay $0x1  }
0x12c: {  	vm0 =	vlt.s32 v8, v9  }
0x12d: {  	v8 =	vsel vm0, v8, v9  }
0x12e: {  	v9 =	vperm.xlane v8, v1;
	_ =	sdelay $0x1  }
0x12f: {  	vm0 =	vlt.s32 v8, v9  }
0x130: {  	v8 =	vsel vm0, v8, v9  }
0x131: {  	v9 =	vperm.xlane v8, v2;
	_ =	sdelay $0x1  }
0x132: {  	vm0 =	vlt.s32 v8, v9  }
0x133: {  	v8 =	vsel vm0, v8, v9  }
0x134: {  	v9 =	vperm.xlane v8, v3;
	_ =	sdelay $0x1  }
0x135: {  	vm0 =	vlt.s32 v8, v9  }
0x136: {  	v8 =	vsel vm0, v8, v9  }
0x137: {  	(v2sf) =	vpush v8, $0x0;
	_ =	sdelay $0xe  }
0x138: {  	s17 =	spop (v2sf)  }
0x139: {  	s18 =	sshll.u32 s17, $0x8  }
0x13a: {  	s20 =	simm.s32 $0x0;
	s19 =	sadd.s32 $0x0, s18  }
0x13b: {  	s20 =	sand.u32 $0x70, s20;
	s21 =	sand.u32 $0xFFFFFF80, s19  }
0x13c: {  	s21 =	sor.u32 s20, s21  }
0x13d: {  	v9 =	vld [tilespmem:s21+$0x2000]  }
0x13e: {  	v8 =	vimm.s32 $0x4000;
	s20 =	simm.s32 $0x10  }
.LBB2_16:
0x13f: {  	s21 =	sadd.s32 s20, s18  }
0x140: {  	p0 =	sne.s32 s20, $0xF0;
	s22 =	smov.u32 s20;
	s20 =	sadd.s32 $0x10, s20  }
.Ltmp6:
0x141: {  	s23 =	sand.u32 $0xFFFFFF80, s21;
	s22 =	sand.u32 $0x70, s22;
	(pc) =	sbr.rel @p0 .LBB2_16-.Ltmp6, $4  }
0x142: {  	v10 =	vor.u32 s19, v4;
	s19 =	smov.u32 s21;
	s22 =	sor.u32 s22, s23;
	vm0 =	veq.f32 v9, v7  }
0x143: {  	v9 =	vld [tilespmem:s22+$0x2000];
	v10 =	vnsel vm0, $0x4000, v10  }
0x144: {  	vm0 =	vlt.s32 v8, v10  }
0x145: {  	v8 =	vsel vm0, v8, v10  }
0x146: {  	_ =	sdelay $0x1  }
0x147: {  	v10 =	vor.u32 s19, v4;
	vm0 =	veq.f32 v9, v7  }
0x148: {  	v7 =	vnsel vm0, $0x4000, v10  }
0x149: {  	vm0 =	vlt.s32 v8, v7  }
0x14a: {  	v7 =	vsel vm0, v8, v7  }
0x14b: {  	v8 =	vperm.xlane v7, v0;
	_ =	sdelay $0x1  }
0x14c: {  	vm0 =	vlt.s32 v7, v8  }
0x14d: {  	v7 =	vsel vm0, v7, v8  }
0x14e: {  	v8 =	vperm.xlane v7, v1;
	_ =	sdelay $0x1  }
0x14f: {  	vm0 =	vlt.s32 v7, v8  }
0x150: {  	v7 =	vsel vm0, v7, v8  }
0x151: {  	v8 =	vperm.xlane v7, v2;
	_ =	sdelay $0x1  }
0x152: {  	vm0 =	vlt.s32 v7, v8  }
0x153: {  	v7 =	vsel vm0, v7, v8  }
0x154: {  	v8 =	vperm.xlane v7, v3;
	_ =	sdelay $0x1  }
0x155: {  	vm0 =	vlt.s32 v7, v8  }
0x156: {  	v7 =	vsel vm0, v7, v8  }
0x157: {  	(v2sf) =	vpush v7, $0x0;
	_ =	sdelay $0xd  }
0x158: {  	v7 =	vbroadcast v7, $0x0  }
0x159: {  	s18 =	spop (v2sf)  }
0x15a: {  	s30 =	sadd.s32 $0x2000, s18;
	s20 =	sadd.s32 $0x1, s18  }
0x15b: {  	s22 =	sshra.s32 s20, $0x1F;
	s23 =	sshra.s32 s30, $0x1F  }
0x15c: {  	s24 =	sxor.u32 s22, s20;
	s25 =	sxor.u32 s23, s30  }
0x15d: {  	s21 =	sshll.u32 s17, $0xA;
	s24 =	ssub.s32 s24, s22;
	s25 =	ssub.s32 s25, s23  }
0x15e: {  	s21 =	sshra.s32 s21, $0x2;
	[tilespmem:v7+s8+$0x0] =	vst.idx.msk $0x1, v5;
	(drf) =	sdiv.u32 s25, s24  }
0x15f: {  	v7 =	vld [tilespmem:s21+$0x2000]  }
0x160: {  	v8 =	vld [tilespmem:s21+$0x2010]  }
0x161: {  	v54 =	vld [tilespmem:s21+$0x2020]  }
0x162: {  	v55 =	vld [tilespmem:s21+$0x2030]  }
0x163: {  	v11 =	vld [tilespmem:s21+$0x2040]  }
0x164: {  	v12 =	vld [tilespmem:s21+$0x2050];
	v7 =	vmax.f32 v7, $-1.000000000e+00  }
0x165: {  	v7 =	vmax.f32 v7, v8;
	v8 =	vld [tilespmem:s21+$0x2060]  }
0x166: {  	v56 =	vld [tilespmem:s21+$0x2070];
	v7 =	vmax.f32 v7, v54  }
0x167: {  	v57 =	vld [tilespmem:s21+$0x2080];
	v7 =	vmax.f32 v7, v55;
	s23 =	sxor.u32 s22, s23;
	s24 =	spop (drf)  }
0x168: {  	v58 =	vld [tilespmem:s21+$0x2090];
	v7 =	vmax.f32 v7, v11;
	s24 =	sxor.u32 s23, s24  }
0x169: {  	v59 =	vld [tilespmem:s21+$0x20A0];
	v7 =	vmax.f32 v7, v12;
	p0 =	sgt.s32 s30, $0x0;
	s23 =	ssub.s32 s24, s23;
	s24 =	simm.s32 $0x1  }
0x16a: {  	v7 =	vmax.f32 v7, v8;
	v8 =	vld [tilespmem:s21+$0x20B0];
	s24 =	simm.s32 @!p0 $0x0;
	p0 =	slt.u32 s18, $0x7FFFFFFF;
	s18 =	simm.s32 $0x1  }
0x16b: {  	p1 =	slt.s32 s30, $0x0;
	v7 =	vmax.f32 v7, v56;
	s20 =	smul.u32 s20, s23;
	s18 =	simm.s32 @!p0 $0x0  }
0x16c: {  	v60 =	vld [tilespmem:s21+$0x20C0];
	v7 =	vmax.f32 v7, v57;
	s24 =	simm.s32 @p1 $0xFFFFFFFF;
	s18 =	sadd.s32 s18, s22  }
0x16d: {  	v61 =	vld [tilespmem:s21+$0x20D0];
	v7 =	vmax.f32 v7, v58;
	p6 =	sne.s32 s30, s20;
	p5 =	sne.s32 s24, s18  }
0x16e: {  	v62 =	vld [tilespmem:s21+$0x20E0];
	v7 =	vmax.f32 v7, v59;
	p0 =	por !p6, !p5  }
0x16f: {  	v63 =	vld [tilespmem:s21+$0x20F0];
	v7 =	vmax.f32 v7, v8;
	v8 =	vmov s16;
	s16 =	sadd.s32 $0x1, s16;
	s18 =	simm.s32 $0x1;
	p0 =	por !p0, !p0  }
0x170: {  	s18 =	simm.s32 @!p0 $0x0;
	p0 =	sne.s32 s16, $0x8  }
.Ltmp7:
0x171: {  	v7 =	vmax.f32 v7, v60;
	(pc) =	sbr.rel @p0 .LBB2_13-.Ltmp7, $4  }
0x172: {  	v7 =	vmax.f32 v7, v61  }
0x173: {  	s31 =	sshll.u32 s17, $0x6;
	v7 =	vmax.f32 v7, v62  }
0x174: {  	s17 =	sshra.s32 s31, $0x2;
	vm15 =	veq.s32 v8, v4;
	v7 =	vmax.f32 v7, v63;
	s18 =	ssub.s32 s23, s18  }
0x175: {  	[tilespmem:s17+$0x4000] =	vst v7;
	v6 =	vsel vm15, s18, v6  }
0x176: {  	s14 =	sadd.s32 $0x1, s14  }
0x177: {  	p0 =	sne.s32 s14, $0x10  }
.Ltmp8:
0x178: {  	_ = 	snop;
	(pc) =	sbr.rel @p0 .LBB2_2-.Ltmp8, $2  }
0x179: {  	_ =	sdelay $0x2  }
0x17a: {  	[tilespmem:s15+$0x4210] =	vst v6  }
0x17b: {  	s13 =	sadd.s32 $0x1, s13  }
0x17c: {  	p0 =	sne.s32 s13, s6  }
.Ltmp9:
0x17d: {  	_ = 	snop;
	(pc) =	sbr.rel @p0 .LBB2_1-.Ltmp9, $4  }
0x17e: {  	[hbm4b:s5+s2] =	stream.linear.scatter [tilespmem:s11], [sflag:$0x3], $0x200, $0x38;
	[tilespmem:$0x4400] =	vst v63  }
0x17f: {  	_ =	swait.ge [sflag:s12], $0x200  }
0x180: {  	[sflag:s12] =	ssyncset.done $0x0  }
0x181: {  	[sflag:s12] =	ssyncadd.s32 $0xFFFFFE00  }
0x182: {  	_ =	sfence.sel $0x180000  }
0x183: {  	[bflag:$0x0] =	sbarrier.arrive $0xFFFF  }
0x184: {  	p0 =	sne.s32 s1, $0x0;
	_ =	strace $0x9000004A  }
0x185: {  	s0 =	sadd.s32 @!p0 $0x100000, s0;
	[bflag:$0x2] =	sbarrier.arrive $0xFFFF  }
0x186: {  	[sflag:s0] =	ssyncadd.tile.s32 @!p0 $0x1;
	_ =	shalt  }
.Lfunc_end2:
_tile_overlayer_lowered:
.L_overlay_start_2:
0x187: {  	(tag) =	ssettag $0x2  }
0x188: {  	s0 =	rddreg [dreg:$0x0];
	s2 =	stileid.u32  }
0x189: {  	s1 =	rddreg [dreg:$0x1];
	p0 =	sne.s32 s2, $0x0  }
0x18a: {  	s3 =	rddreg [dreg:$0x2];
	[bflag:$0x3] =	sbarrier.arrive $0xFFFF;
	s2 =	simm.s32 @!p0 $0x1C03  }
0x18b: {  	[timem:s3], [sflag:s2] =	dma.local @!p0 [hbm:s0], s1  }
0x18c: {  	s0 =	simm.s32 @!p0 $0x3  }
0x18d: {  	_ =	swait.ge @!p0 [sflag:s0], s1  }
0x18e: {  	s1 =	ssub.s32 @!p0 $0x0, s1;
	[sflag:s0] =	ssyncset.done @!p0 $0x0  }
0x18f: {  	[sflag:s0] =	ssyncadd.s32 @!p0 s1  }
0x190: {  	[bflag:$0x3] =	sbarrier.arrive $0xFFFF  }
0x191: {  	_ =	shalt  }

// kernel: sparse-core-data-format-call.cloned.1.call-start
scs
called_computation_lowered:
.L_overlay_start_0:
0x0: {  	s1 =	sld [smem:$0x3FD9]  }
0x1: {  	s2 =	sld [smem:$0x3FFE];
	_ =	sdelay $0x1  }
0x2: {  	s3 =	srdreg.scid  }
0x3: {  	s0 =	sand.u32 $0x1, s3  }
0x4: {  	s17 =	sshll.u32 s0, $0xA;
	s1 =	sadd.s32 s2, s1  }
0x5: {  	s1 =	sadd.s32 s1, s17  }
0x6: {  	[smem:$0x3FC7] =	sst s1  }
0x7: {  	_ = 	snop  }
0x8: {  	(tm) =	ssettm $0x1  }
0x9: {  	s18 =	sld [smem:$0x3FFB];
	_ =	sdelay $0x3  }
0xa: {  	_ =	strace s18  }
0xb: {  	s1 =	sld [smem:$0x3FFC];
	_ =	sdelay $0x3  }
0xc: {  	_ =	strace s1  }
0xd: {  	s1 =	sld [smem:$0x3FFD];
	_ =	sdelay $0x3  }
0xe: {  	_ =	strace s1  }
0xf: {  	_ =	strace $0x8FFFFFFF  }
0x10: {  	s19 =	sld [smem:$0x3FDB];
	_ =	sdelay $0x1  }
0x11: {  	s20 =	simm.s32 $_scs_section_size  }
0x12: {  	s4 =	simm.s32 $_size__tile_overlayer_lowered;
	s5 =	simm.s32 $_tile_overlayer_lowered  }
0x13: {  	s23 =	simm.s32 $0x1BFF;
	s22 =	sshll.u32 s5, $0x1;
	s1 =	sadd.s32 s20, s19  }
0x14: {  	s6 =	simm.s32 $0x0;
	s21 =	sshll.u32 s4, $0x1;
	s4 =	sadd.s32 s22, s1  }
0x15: {  	[timem:s6], [sflag:s23] =	dma.local [hbm:s4], s21  }
0x16: {  	_ =	swait.ge [sflag:s23], s21  }
0x17: {  	s2 =	ssub.s32 $0x0, s21;
	[sflag:s23] =	ssyncset.done $0x0  }
0x18: {  	[sflag:s23] =	ssyncadd.s32 s2;
	_ =	sdelay $0x1  }
0x19: {  	s24 =	simm.s32 $0x1B8B  }
0x1a: {  	_ =	swait.ge [sflag:s24], $0x1  }
0x1b: {  	[sflag:s24] =	ssyncset.done $0x0  }
0x1c: {  	s26 =	simm.s32 $0x1B8E;
	s25 =	sld [smem:$0x3FFE];
	[sflag:s24] =	ssyncadd.s32 $0xFFFFFFFF  }
0x1d: {  	s27 =	simm.s32 $execute0_lowered;
	[smem:$0x3FD2] =	sst s26  }
0x1e: {  	s4 =	sshll.u32 s27, $0x1;
	_ =	strace $0x80000046;
	[dreg:$0x1] =	wrdreg $0xFFFFFFFF  }
0x1f: {  	s28 =	simm.s32 $_size_execute0_lowered;
	s1 =	sadd.s32 s1, s4;
	[dreg:$0x0] =	wrdreg $0x0  }
0x20: {  	s4 =	sshll.u32 s28, $0x1;
	[dreg:$0x2] =	wrdreg s1  }
0x21: {  	[dreg:$0x3] =	wrdreg s4  }
0x22: {  	[dreg:$0x4] =	wrdreg $0xC0  }
0x23: {  	_ =	task [dreg:s6], $0x5FFFF  }
0x24: {  	[dreg:$0x1] =	wrdreg $0xFFFFFFFF  }
0x25: {  	[dreg:$0x0] =	wrdreg $0x60  }
0x26: {  	[dreg:$0x2] =	wrdreg s25  }
0x27: {  	[dreg:$0x3] =	wrdreg $0x9  }
0x28: {  	_ =	task.clear_ibuf [dreg:s6], $0x4FFFF;
	_ =	strace $0x90000046  }
0x29: {  	s29 =	simm.s32 $0x9;
	_ =	strace $0x80000048  }
0x2a: {  	_ =	swait.ge [sflag:s29], $0x1  }
0x2b: {  	[sflag:s29] =	ssyncadd.s32 $0xFFFFFFFF  }
0x2c: {  	_ =	strace $0x90000048  }
0x2d: {  	_ =	sfence  }
0x2e: {  	s30 =	sld [smem:$0x0];
	_ =	sdelay $0x2  }
0x2f: {  	s31 =	sshll.u32 s3, $0xD;
	s3 =	sshrl.u32 s3, $0x2  }
0x30: {  	s2 =	sand.u32 $0x4000, s31;
	s1 =	sadd.s32 s3, s30  }
0x31: {  	s0 =	sor.u32 s2, s0;
	s1 =	sshll.u32 s1, $0x11  }
0x32: {  	s0 =	sor.u32 s1, s0  }
0x33: {  	s0 =	sadd.s32 $0x8F2B, s0  }
0x34: {  	[sflag:s0] =	ssyncadd.remote.s32 $0x1  }
0x35: {  	_ =	sfence.sel $0xFFFF  }
0x36: {  	[dreg:$0x0] =	wrdreg $0xFFFFFFFF;
	(pc) =	sbr.abs _section_cstart, $3  }
0x37: {  	[dreg:$0x1] =	wrdreg $0xFFFFFFFF  }
0x38: {  	_ =	task.clear_ibuf [dreg:s6], $0x2FFFF;
	_ =	strace $0x9FFFFFFF  }
0x39: {  	(tm) =	ssettm $0x7FFFFFFF  }
tec
execute0_lowered:
.L_overlay_start_1:
0x0: {  	(tag) =	ssettag $0x1  }
0x1: {  	s1 =	rddreg [dreg:$0x0]  }
0x2: {  	s0 =	rddreg [dreg:$0x1];
	_ =	strace $0x80000047;
	s4 =	srdreg.scid  }
0x3: {  	s7 =	simm.s32 $0x2;
	s12 =	simm.s32 $0x0;
	p0 =	por $0x0, $0x0  }
0x4: {  	s11 =	simm.s32 $0x0;
	s13 =	simm.s32 $0x0;
	s2 =	sadd.s32 $0xE00, s1  }
.Ltmp0:
0x5: {  	s3 =	sadd.s32 $0x100E00, s1;
	s4 =	sshll.u32 s4, $0x4;
	(pc) =	sbr.rel .LBB1_1-.Ltmp0, $4  }
0x6: {  	s1 =	stileid.u32;
	s5 =	sand.u32 $0x10, s4;
	s4 =	simm.s32 $0x1  }
0x7: {  	s9 =	simm.s32 $0x0;
	s6 =	sor.u32 s1, s5;
	[sflag:s4] =	ssyncpa.u1 $0x0  }
0x8: {  	s5 =	sand.u32 $0x7, s1;
	s6 =	sshrl.u32 s6, $0x3;
	[sflag:s7] =	ssyncpa.u1 $0x0  }
0x9: {  	s10 =	smov.u32 s5;
	s7 =	simm.s32 $0x0;
	s8 =	smov.u32 s6  }
.LBB1_5:
0xa: {  	s14 =	sadd.s32 $0x4, s8  }
0xb: {  	s11 =	sadd.s32 $0x80, s9;
	s15 =	smov.u32 s9;
	p2 =	sgt.s32 s14, $0x3F  }
0xc: {  	s15 =	smov.u32 @p2 s11  }
0xd: {  	s17 =	smov.u32 s10;
	s11 =	sadd.s32 $0x8, s10;
	p3 =	sgt.s32 s15, $0x7F  }
0xe: {  	p1 =	slt.u32 s7, $0x2;
	s17 =	smov.u32 @p3 s11  }
0xf: {  	s7 =	sadd.s32 $0x1, s7;
	s14 =	smov.u32 @p2 s6;
	p2 =	sgt.s32 s17, $0x7  }
0x10: {  	s17 =	smov.u32 @p2 s5;
	p2 =	sne.s32 s7, $0x12  }
.Ltmp1:
0x11: {  	s16 =	simm.s32 @!p1 $0x2;
	(pc) =	sbr.rel @!p2 .LBB1_6-.Ltmp1, $4  }
0x12: {  	s12 =	smov.u32 s8;
	_ =	swait.ge @!p1 [sflag:s16], $0x4000  }
0x13: {  	s13 =	smov.u32 s10;
	p0 =	por !p0, !p0;
	[sflag:s16] =	ssyncset.done @!p1 $0x0  }
0x14: {  	s8 =	smov.u32 s14;
	s15 =	simm.s32 @p3 $0x0;
	s11 =	smov.u32 s9  }
0x15: {  	[sflag:s16] =	ssyncadd.s32 @!p1 $0xFFFFC000;
	s9 =	smov.u32 s15;
	s10 =	smov.u32 s17  }
.LBB1_1:
0x16: {  	p1 =	sgt.u32 s7, $0xF  }
0x17: {  	s14 =	sxor.u32 @!p1 $0xFFFFFFFF, s7;
	s15 =	sshll.u32 @!p1 s10, $0x11;
	s16 =	sshll.u32 @!p1 s9, $0xA  }
0x18: {  	s17 =	sshll.u32 @!p1 s8, $0x4;
	s14 =	sshll.u32 @!p1 s14, $0xE;
	s15 =	sadd.s32 @!p1 s2, s15  }
0x19: {  	s17 =	sand.u32 @!p1 $0x3F0, s17;
	s14 =	sand.u32 @!p1 $0x4000, s14;
	s15 =	sadd.s32 @!p1 s16, s15  }
0x1a: {  	s16 =	simm.s32 @!p1 $0x80;
	s15 =	sadd.s32 @!p1 s17, s15;
	s17 =	simm.s32 @!p1 $0x2000  }
0x1b: {  	[tilespmem:s14], [sflag:$0x1] =	stream.strided.gather @!p1 [hbm4b:s15+s16], $0x4000, s17, s16, $0x38;
	[tilespmem:$0x10100] =	vst v63  }
0x1c: {  	p1 =	seq.s32 s7, $0x0  }
0x1d: {  	p2 =	seq.s32 @!p1 s7, $0x11  }
0x1e: {  	p1 =	por p1, p2  }
.Ltmp2:
0x1f: {  	_ = 	snop;
	(pc) =	sbr.rel @p1 .LBB1_5-.Ltmp2, $1  }
0x20: {  	_ =	sdelay $0x3  }
0x21: {  	s14 =	simm.s32 $0x1  }
0x22: {  	_ =	swait.ge [sflag:s4], $0x4000;
	s14 =	simm.s32 @!p0 $0x0  }
0x23: {  	[sflag:s4] =	ssyncset.done $0x0;
	s15 =	sshll.u32 s14, $0xE  }
0x24: {  	[sflag:s4] =	ssyncadd.s32 $0xFFFFC000;
	s17 =	sor.u32 $0x40, s15  }
0x25: {  	s14 =	smul.u32 $0x10200, s14;
	v0 =	vld [tilespmem:s17+$0x30]  }
0x26: {  	v3 =	vld [tilespmem:s17+$0xFFFFFFD0]  }
0x27: {  	s14 =	sshrl.u32 s14, $0x2;
	v4 =	vld [tilespmem:s17+$0xFFFFFFE0]  }
0x28: {  	v5 =	vld [tilespmem:s17+$0xFFFFFFF0];
	s15 =	sor.u32 $0x8000, s14  }
0x29: {  	s31 =	sand.u32 $0x1, s7;
	v1 =	vld [tilespmem:s17+$0x0];
	s16 =	sadd.s32 $0x0, s15  }
0x2a: {  	v2 =	vld [tilespmem:s17+$0x10];
	s14 =	smul.u32 $0x10200, s31;
	[tilespmem:s16+$0x3870 ss:$0x81] =	vst.msk $0xffff, v0  }
0x2b: {  	[tilespmem:s16+$0x810 ss:$0x81] =	vst.msk $0xffff, v3;
	v3 =	vld [tilespmem:s17+$0x20]  }
0x2c: {  	s14 =	sshrl.u32 s14, $0x2;
	v0 =	vld [tilespmem:s17+$0xFFFFFFC0];
	[tilespmem:s16+$0x1020 ss:$0x81] =	vst.msk $0xffff, v4;
	s17 =	sadd.s32 $0x80, s17  }
0x2d: {  	s18 =	simm.s32 $0x4;
	s19 =	simm.s32 $0x8;
	s14 =	sor.u32 $0x8000, s14;
	[tilespmem:s16+$0x1830 ss:$0x81] =	vst.msk $0xffff, v5;
	v4 =	vld [tilespmem:s17+$0x30]  }
.LBB1_3:
0x2e: {  	p1 =	sne.s32 s19, $0x1FC;
	v5 =	vld [tilespmem:s17+$0xFFFFFFD0];
	[tilespmem:s16+$0x2040 ss:$0x81] =	vst.msk $0xffff, v1  }
0x2f: {  	v6 =	vld [tilespmem:s17+$0xFFFFFFE0];
	[tilespmem:s16+$0x2850 ss:$0x81] =	vst.msk $0xffff, v2  }
0x30: {  	s20 =	sshra.s32 s18, $0x2;
	s18 =	smov.u32 s19;
	v7 =	vld [tilespmem:s17+$0xFFFFFFF0];
	[tilespmem:s16+$0x3060 ss:$0x81] =	vst.msk $0xffff, v3  }
.Ltmp3:
0x31: {  	v1 =	vld [tilespmem:s17+$0x0];
	[tilespmem:s16+$0x0 ss:$0x81] =	vst.msk $0xffff, v0;
	s16 =	sadd.s32 s20, s15;
	(pc) =	sbr.rel @p1 .LBB1_3-.Ltmp3, $4  }
0x32: {  	v2 =	vld [tilespmem:s17+$0x10];
	[tilespmem:s16+$0x3870 ss:$0x81] =	vst.msk $0xffff, v4  }
0x33: {  	[tilespmem:s16+$0x810 ss:$0x81] =	vst.msk $0xffff, v5;
	v3 =	vld [tilespmem:s17+$0x20]  }
0x34: {  	v0 =	vld [tilespmem:s17+$0xFFFFFFC0];
	[tilespmem:s16+$0x1020 ss:$0x81] =	vst.msk $0xffff, v6;
	s17 =	sadd.s32 $0x80, s17  }
0x35: {  	s19 =	sadd.s32 $0x4, s19;
	v4 =	vld [tilespmem:s17+$0x30];
	[tilespmem:s16+$0x1830 ss:$0x81] =	vst.msk $0xffff, v7  }
0x36: {  	v5 =	vld [tilespmem:s17+$0xFFFFFFD0];
	[tilespmem:s16+$0x2040 ss:$0x81] =	vst.msk $0xffff, v1  }
0x37: {  	v58 =	vld [tilespmem:s17+$0xFFFFFFE0];
	[tilespmem:s16+$0x2850 ss:$0x81] =	vst.msk $0xffff, v2  }
0x38: {  	s18 =	sshra.s32 s18, $0x2;
	v59 =	vld [tilespmem:s17+$0xFFFFFFF0];
	[tilespmem:s16+$0x3060 ss:$0x81] =	vst.msk $0xffff, v3  }
0x39: {  	v60 =	vld [tilespmem:s17+$0x0];
	s15 =	sadd.s32 s18, s15;
	[tilespmem:s16+$0x0 ss:$0x81] =	vst.msk $0xffff, v0  }
0x3a: {  	v61 =	vld [tilespmem:s17+$0x10];
	[tilespmem:s15+$0x3870 ss:$0x81] =	vst.msk $0xffff, v4  }
0x3b: {  	v62 =	vld [tilespmem:s17+$0x20];
	[tilespmem:s15+$0x810 ss:$0x81] =	vst.msk $0xffff, v5  }
0x3c: {  	v63 =	vld [tilespmem:s17+$0xFFFFFFC0];
	[tilespmem:s15+$0x1020 ss:$0x81] =	vst.msk $0xffff, v58  }
0x3d: {  	s13 =	sshll.u32 s13, $0x11;
	[tilespmem:s15+$0x1830 ss:$0x81] =	vst.msk $0xffff, v59  }
.Ltmp4:
0x3e: {  	s28 =	sand.u32 $0x780, s11;
	s13 =	sadd.s32 s3, s13;
	[tilespmem:s15+$0x2040 ss:$0x81] =	vst.msk $0xffff, v60;
	(pc) =	sbr.rel .LBB1_5-.Ltmp4, $4  }
0x3f: {  	s12 =	sshll.u32 s12, $0xB;
	s29 =	sshrl.u32 s11, $0x3;
	s13 =	sadd.s32 s28, s13;
	[tilespmem:s15+$0x2850 ss:$0x81] =	vst.msk $0xffff, v61  }
0x40: {  	s30 =	sand.u32 $0xF, s29;
	s12 =	sadd.s32 s12, s13;
	[tilespmem:s15+$0x3060 ss:$0x81] =	vst.msk $0xffff, v62  }
0x41: {  	s31 =	sand.u32 $0x7, s11;
	s12 =	sadd.s32 s30, s12;
	[tilespmem:s15+$0x0 ss:$0x81] =	vst.msk $0xffff, v63  }
0x42: {  	[hbm4b:s12+s31] =	stream.linear.scatter [tilespmem:s14], [sflag:$0x2], $0x4000, $0x20;
	[tilespmem:$0x10100] =	vst v63  }
.LBB1_6:
0x43: {  	_ =	sfence.sel $0x180000  }
0x44: {  	s2 =	simm.s32 $0x1;
	[bflag:$0x0] =	sbarrier.arrive $0xFFFF  }
0x45: {  	s31 =	simm.s32 $0x2;
	[sflag:s2] =	ssyncpa.u1 $0x1  }
0x46: {  	[sflag:s31] =	ssyncpa.u1 $0x1  }
0x47: {  	p0 =	sne.s32 s1, $0x0;
	_ =	strace $0x90000047  }
0x48: {  	s0 =	sadd.s32 @!p0 $0x100000, s0;
	[bflag:$0x2] =	sbarrier.arrive $0xFFFF  }
0x49: {  	[sflag:s0] =	ssyncadd.tile.s32 @!p0 $0x1;
	_ =	shalt  }
.Lfunc_end1:
_tile_overlayer_lowered:
.L_overlay_start_2:
0x4a: {  	(tag) =	ssettag $0x2  }
0x4b: {  	s0 =	rddreg [dreg:$0x0];
	s2 =	stileid.u32  }
0x4c: {  	s1 =	rddreg [dreg:$0x1];
	p0 =	sne.s32 s2, $0x0  }
0x4d: {  	s3 =	rddreg [dreg:$0x2];
	[bflag:$0x3] =	sbarrier.arrive $0xFFFF;
	s2 =	simm.s32 @!p0 $0x1C01  }
0x4e: {  	[timem:s3], [sflag:s2] =	dma.local @!p0 [hbm:s0], s1  }
0x4f: {  	s0 =	simm.s32 @!p0 $0x1  }
0x50: {  	_ =	swait.ge @!p0 [sflag:s0], s1  }
0x51: {  	s1 =	ssub.s32 @!p0 $0x0, s1;
	[sflag:s0] =	ssyncset.done @!p0 $0x0  }
0x52: {  	[sflag:s0] =	ssyncadd.s32 @!p0 s1  }
0x53: {  	[bflag:$0x3] =	sbarrier.arrive $0xFFFF  }
0x54: {  	_ =	shalt  }

</sc_bundles>
